<compile_context>
chip_gen: v7x
topology: tpu7x:2x2x1
jax: 0.10.2.dev20260603
libtpu: 0.0.44.dev20260713+nightly
codegen_flags: <defaults>
</compile_context>

<pallas_src>
import functools

import jax
import jax.numpy as jnp
from jax import lax
from jax.experimental import pallas as pl
from jax.experimental.pallas import tpu as pltpu
from jax.experimental.pallas import tpu_sc as plsc

_NC = 2
_NS = 16
_NW = _NC * _NS

_P = 50
_TI = 128
_NTT = 128
_D = 64
_CT = _D // 8
_TPW = _NTT // _NW
_NE = 1000000
_UNITS = _TPW * _P


_RB = 2048


def _tc_prep_body(wt_ref, out_ref):
    x = wt_ref[...]
    out_ref[:, 0:_D] = jnp.swapaxes(x, 0, 1)
    out_ref[:, _D:] = jnp.zeros((_RB, _D), jnp.float32)


def _make_tc_prep():
    grid = (_NE + _RB - 1) // _RB
    return pl.pallas_call(
        _tc_prep_body,
        grid=(grid,),
        in_specs=[pl.BlockSpec((_D, _RB), lambda i: (0, i))],
        out_specs=pl.BlockSpec((_RB, 2 * _D), lambda i: (i, 0)),
        out_shape=jax.ShapeDtypeStruct((_NE, 2 * _D), jnp.float32),
    )


def _make_gather():
    mesh = plsc.VectorSubcoreMesh(core_axis_name="c", subcore_axis_name="s")

    @functools.partial(
        pl.kernel,
        out_type=jax.ShapeDtypeStruct((_P, _CT, _NTT, 8, _TI), jnp.float32),
        mesh=mesh,
        scratch_types=[
            pltpu.VMEM((_TPW * _TI * _P,), jnp.int32),
            pltpu.VMEM((_P, _TPW * _TI), jnp.int32),
            pltpu.VMEM((2, _TI, _D), jnp.float32),
            pltpu.VMEM((2, _CT, 1, 8, _TI + 1), jnp.float32),
            pltpu.SemaphoreType.DMA,
            pltpu.SemaphoreType.DMA,
            pltpu.SemaphoreType.DMA,
            pltpu.SemaphoreType.DMA,
        ],
        compiler_params=pltpu.CompilerParams(use_tc_tiling_on_sc=False,
                                             needs_layout_passes=False),
    )
    def gather_kernel(tid_hbm, table_hbm, out_hbm, idx_raw, idx_v, rows_v,
                      obuf_v, sg0, sg1, sw0, sw1):
        semg = (sg0, sg1)
        semw = (sw0, sw1)
        wid = lax.axis_index("s") * _NC + lax.axis_index("c")
        tt0 = wid * _TPW
        nblk = _TPW * _TI * _P

        lanes = lax.iota(jnp.int32, 16)
        c_ids = [lanes + (16 * cg) for cg in range(_D // 16)]
        ct_ids = [c // 8 for c in c_ids]
        ci_ids = [c - (c // 8) * 8 for c in c_ids]
        zeros16 = jnp.full((16,), 0, jnp.int32)

        pltpu.sync_copy(
            tid_hbm.at[pl.ds(pl.multiple_of(tt0 * _TI * _P, nblk), nblk)],
            idx_raw,
        )
        lanes_p = lanes * _P

        def idxt_body(p, carry):
            def grp_body(k, carry2):
                addr = lanes_p + (k * (16 * _P) + p)
                v = plsc.load_gather(idx_raw, [addr])
                idx_v[p, pl.ds(k * 16, 16)] = v + v
                return carry2
            lax.fori_loop(0, _TPW * _TI // 16, grp_body, carry)
            return carry
        lax.fori_loop(0, _P, idxt_body, 0)

        def unit_parts(u):
            tti = u // _P
            return tti, u - tti * _P

        def fire_gather(u, b):
            tti, p = unit_parts(u)
            pltpu.async_copy(
                table_hbm.at[idx_v.at[p, pl.ds(pl.multiple_of(tti * _TI, _TI),
                                               _TI)]],
                rows_v.at[b],
                semg[b],
            )

        def drain_gather(b):
            pltpu.make_async_copy(
                table_hbm.at[pl.ds(0, _TI)], rows_v.at[b], semg[b]
            ).wait()


        def transpose(b):
            bsplat = jnp.full((16,), b, jnp.int32)

            def tok_body(t, carry):
                tsplat = zeros16 + t
                for cg in range(_D // 16):
                    v = rows_v[b, t, pl.ds(cg * 16, 16)]
                    plsc.store_scatter(
                        obuf_v,
                        [bsplat, ct_ids[cg], zeros16, ci_ids[cg], tsplat],
                        v)
                return carry
            lax.fori_loop(0, _TI, tok_body, 0, unroll=8)

        def fire_writes(u, b):
            tti, p = unit_parts(u)
            tt = tt0 + tti
            pltpu.async_copy(
                obuf_v.at[b].at[:, :, :, pl.ds(0, _TI)],
                out_hbm.at[p, pl.ds(0, _CT), pl.ds(tt, 1)],
                semw[b],
            )

        def wait_writes(b):
            pltpu.make_async_copy(
                obuf_v.at[b].at[:, :, :, pl.ds(0, _TI)],
                out_hbm.at[0, pl.ds(0, _CT), pl.ds(0, 1)],
                semw[b],
            ).wait()

        fire_gather(0, 0)

        @pl.loop(0, _UNITS, step=2)
        def _(u0):
            for bb in range(2):
                u = u0 + bb
                nb = 1 - bb

                @pl.when(u + 1 < _UNITS)
                def _():
                    fire_gather(u + 1, nb)

                drain_gather(bb)

                @pl.when(u0 >= 2 - bb)
                def _():
                    wait_writes(bb)

                transpose(bb)
                fire_writes(u, bb)

        wait_writes(0)
        wait_writes(1)

    return gather_kernel


def kernel(token_ids, W):
    tid = token_ids.reshape(-1).astype(jnp.int32)
    Wp = _make_tc_prep()(W.T).reshape(2 * _NE, _D)
    ot = _make_gather()(tid, Wp)
    return ot.transpose(2, 4, 0, 1, 3).reshape(16384, _P, _D)

# --- scband reference (transcript-rebuilt; emitter-appended) ---
"""Pipeline reference for scband-embedding-14370960572837 (READ-ONLY COPY).

The authoritative reference and input builder live on the scoring server;
editing this copy changes nothing except your own understanding.
"""

import jax, jax.numpy as jnp
import numpy as np

NUM_EMBEDDINGS = 1000000
EMBEDDING_DIM = 64

def setup_inputs(seed: int = 0) -> dict:
    key = jax.random.key(seed)
    k_idx, k_w = jax.random.split(key)
    token_ids = jax.random.randint(k_idx, (16384, 50), 0, NUM_EMBEDDINGS, dtype=jnp.int64 if jax.config.jax_enable_x64 else jnp.int32)
    # trunc_normal_(mean=0, std=1, a=-3, b=3)
    W = jax.random.truncated_normal(k_w, -3.0, 3.0, (NUM_EMBEDDINGS, EMBEDDING_DIM), dtype=jnp.float32)
    return {"token_ids": token_ids, "W": W}

def reference(token_ids, W):
    # Embedding lookup: W[token_ids]
    return jnp.take(W, token_ids, axis=0)

if __name__ == "__main__":
    import jax
    _d = setup_inputs()
    print(jax.jit(kernel)(*tuple(_d.values())))

</pallas_src>

<mosaic_0001>
#map = affine_map<(d0, d1) -> (0)>
#map1 = affine_map<(d0, d1) -> (0, 0)>
#map2 = affine_map<(d0, d1) -> (0, 0, 0, 0, 0)>
module attributes {stable_mosaic.version = 14 : i64} {
  func.func @gather_kernel(%arg0: i32, %arg1: i32, %arg2: memref<819200xi32, #tpu.memory_space<hbm>>, %arg3: memref<2000000x64xf32, #tpu.memory_space<hbm>>, %arg4: memref<50x8x128x8x128xf32, #tpu.memory_space<hbm>>, %arg5: memref<25600xi32, #tpu.memory_space<vmem>>, %arg6: memref<50x512xi32, #tpu.memory_space<vmem>>, %arg7: memref<2x128x64xf32, #tpu.memory_space<vmem>>, %arg8: memref<2x8x1x8x129xf32, #tpu.memory_space<vmem>>, %arg9: memref<!tpu.dma_semaphore, #tpu.memory_space<semaphore_mem>>, %arg10: memref<!tpu.dma_semaphore, #tpu.memory_space<semaphore_mem>>, %arg11: memref<!tpu.dma_semaphore, #tpu.memory_space<semaphore_mem>>, %arg12: memref<!tpu.dma_semaphore, #tpu.memory_space<semaphore_mem>>) attributes {dimension_semantics = [#tpu.dimension_semantics<core_parallel>, #tpu.dimension_semantics<subcore_parallel>], iteration_bounds = array<i64: 2, 16>, scalar_prefetch = 0 : i64, scratch_operands = 8 : i64, tpu.core_type = #tpu.core_type<sc_vector_subcore>, window_params = [{transform_indices = #map}, {transform_indices = #map1}, {transform_indices = #map2}]} {
    %mul3A = arith.constant 2 : i32
    %mul3A_0 = arith.muli %arg1, %mul3A : i32
    %add3A = arith.addi %mul3A_0, %arg0 : i32
    %mul3A_1 = arith.constant 4 : i32
    %mul3A_2 = arith.muli %add3A, %mul3A_1 : i32
    %iota3A = tpu.iota {dimensions = array<i32: 0>} : vector<16xi32>
    %add3A_3 = arith.constant 0 : i32
    %add3A_4 = vector.broadcast %add3A_3 : i32 to vector<16xi32>
    %add3A_5 = arith.addi %iota3A, %add3A_4 : vector<16xi32>
    %add3A_6 = arith.constant 16 : i32
    %add3A_7 = vector.broadcast %add3A_6 : i32 to vector<16xi32>
    %add3A_8 = arith.addi %iota3A, %add3A_7 : vector<16xi32>
    %add3A_9 = arith.constant 32 : i32
    %add3A_10 = vector.broadcast %add3A_9 : i32 to vector<16xi32>
    %add3A_11 = arith.addi %iota3A, %add3A_10 : vector<16xi32>
    %add3A_12 = arith.constant 48 : i32
    %add3A_13 = vector.broadcast %add3A_12 : i32 to vector<16xi32>
    %add3A_14 = arith.addi %iota3A, %add3A_13 : vector<16xi32>
    %jit3A = arith.constant 8 : i32
    %div3A = vector.broadcast %jit3A : i32 to vector<16xi32>
    %div3A_15 = arith.divsi %add3A_5, %div3A : vector<16xi32>
    %sign3A = arith.constant 0 : i32
    %sign3A_16 = vector.broadcast %sign3A : i32 to vector<16xi32>
    %sign3A_17 = arith.cmpi sgt, %add3A_5, %sign3A_16 : vector<16xi32>
    %sign3A_18 = arith.extui %sign3A_17 : vector<16xi1> to vector<16xi32>
    %sign3A_19 = arith.constant 0 : i32
    %sign3A_20 = vector.broadcast %sign3A_19 : i32 to vector<16xi32>
    %sign3A_21 = arith.cmpi slt, %add3A_5, %sign3A_20 : vector<16xi32>
    %sign3A_22 = arith.extui %sign3A_21 : vector<16xi1> to vector<16xi32>
    %sign3A_23 = arith.subi %sign3A_18, %sign3A_22 : vector<16xi32>
    %sign3A_24 = arith.constant 0 : i32
    %sign3A_25 = arith.cmpi sgt, %jit3A, %sign3A_24 : i32
    %sign3A_26 = arith.extui %sign3A_25 : i1 to i32
    %sign3A_27 = arith.constant 0 : i32
    %sign3A_28 = arith.cmpi slt, %jit3A, %sign3A_27 : i32
    %sign3A_29 = arith.extui %sign3A_28 : i1 to i32
    %sign3A_30 = arith.subi %sign3A_26, %sign3A_29 : i32
    %ne3A = vector.broadcast %sign3A_30 : i32 to vector<16xi32>
    %ne3A_31 = arith.cmpi ne, %sign3A_23, %ne3A : vector<16xi32>
    %rem3A = vector.broadcast %jit3A : i32 to vector<16xi32>
    %rem3A_32 = arith.remsi %add3A_5, %rem3A : vector<16xi32>
    %ne3A_33 = arith.constant 0 : i32
    %ne3A_34 = vector.broadcast %ne3A_33 : i32 to vector<16xi32>
    %ne3A_35 = arith.cmpi ne, %rem3A_32, %ne3A_34 : vector<16xi32>
    %and3A = arith.andi %ne3A_31, %ne3A_35 : vector<16xi1>
    %sub3A = arith.constant 1 : i32
    %sub3A_36 = vector.broadcast %sub3A : i32 to vector<16xi32>
    %sub3A_37 = arith.subi %div3A_15, %sub3A_36 : vector<16xi32>
    %select_n3A = arith.select %and3A, %sub3A_37, %div3A_15 : vector<16xi1>, vector<16xi32>
    %jit3A_38 = arith.constant 8 : i32
    %div3A_39 = vector.broadcast %jit3A_38 : i32 to vector<16xi32>
    %div3A_40 = arith.divsi %add3A_8, %div3A_39 : vector<16xi32>
    %sign3A_41 = arith.constant 0 : i32
    %sign3A_42 = vector.broadcast %sign3A_41 : i32 to vector<16xi32>
    %sign3A_43 = arith.cmpi sgt, %add3A_8, %sign3A_42 : vector<16xi32>
    %sign3A_44 = arith.extui %sign3A_43 : vector<16xi1> to vector<16xi32>
    %sign3A_45 = arith.constant 0 : i32
    %sign3A_46 = vector.broadcast %sign3A_45 : i32 to vector<16xi32>
    %sign3A_47 = arith.cmpi slt, %add3A_8, %sign3A_46 : vector<16xi32>
    %sign3A_48 = arith.extui %sign3A_47 : vector<16xi1> to vector<16xi32>
    %sign3A_49 = arith.subi %sign3A_44, %sign3A_48 : vector<16xi32>
    %sign3A_50 = arith.constant 0 : i32
    %sign3A_51 = arith.cmpi sgt, %jit3A_38, %sign3A_50 : i32
    %sign3A_52 = arith.extui %sign3A_51 : i1 to i32
    %sign3A_53 = arith.constant 0 : i32
    %sign3A_54 = arith.cmpi slt, %jit3A_38, %sign3A_53 : i32
    %sign3A_55 = arith.extui %sign3A_54 : i1 to i32
    %sign3A_56 = arith.subi %sign3A_52, %sign3A_55 : i32
    %ne3A_57 = vector.broadcast %sign3A_56 : i32 to vector<16xi32>
    %ne3A_58 = arith.cmpi ne, %sign3A_49, %ne3A_57 : vector<16xi32>
    %rem3A_59 = vector.broadcast %jit3A_38 : i32 to vector<16xi32>
    %rem3A_60 = arith.remsi %add3A_8, %rem3A_59 : vector<16xi32>
    %ne3A_61 = arith.constant 0 : i32
    %ne3A_62 = vector.broadcast %ne3A_61 : i32 to vector<16xi32>
    %ne3A_63 = arith.cmpi ne, %rem3A_60, %ne3A_62 : vector<16xi32>
    %and3A_64 = arith.andi %ne3A_58, %ne3A_63 : vector<16xi1>
    %sub3A_65 = arith.constant 1 : i32
    %sub3A_66 = vector.broadcast %sub3A_65 : i32 to vector<16xi32>
    %sub3A_67 = arith.subi %div3A_40, %sub3A_66 : vector<16xi32>
    %select_n3A_68 = arith.select %and3A_64, %sub3A_67, %div3A_40 : vector<16xi1>, vector<16xi32>
    %jit3A_69 = arith.constant 8 : i32
    %div3A_70 = vector.broadcast %jit3A_69 : i32 to vector<16xi32>
    %div3A_71 = arith.divsi %add3A_11, %div3A_70 : vector<16xi32>
    %sign3A_72 = arith.constant 0 : i32
    %sign3A_73 = vector.broadcast %sign3A_72 : i32 to vector<16xi32>
    %sign3A_74 = arith.cmpi sgt, %add3A_11, %sign3A_73 : vector<16xi32>
    %sign3A_75 = arith.extui %sign3A_74 : vector<16xi1> to vector<16xi32>
    %sign3A_76 = arith.constant 0 : i32
    %sign3A_77 = vector.broadcast %sign3A_76 : i32 to vector<16xi32>
    %sign3A_78 = arith.cmpi slt, %add3A_11, %sign3A_77 : vector<16xi32>
    %sign3A_79 = arith.extui %sign3A_78 : vector<16xi1> to vector<16xi32>
    %sign3A_80 = arith.subi %sign3A_75, %sign3A_79 : vector<16xi32>
    %sign3A_81 = arith.constant 0 : i32
    %sign3A_82 = arith.cmpi sgt, %jit3A_69, %sign3A_81 : i32
    %sign3A_83 = arith.extui %sign3A_82 : i1 to i32
    %sign3A_84 = arith.constant 0 : i32
    %sign3A_85 = arith.cmpi slt, %jit3A_69, %sign3A_84 : i32
    %sign3A_86 = arith.extui %sign3A_85 : i1 to i32
    %sign3A_87 = arith.subi %sign3A_83, %sign3A_86 : i32
    %ne3A_88 = vector.broadcast %sign3A_87 : i32 to vector<16xi32>
    %ne3A_89 = arith.cmpi ne, %sign3A_80, %ne3A_88 : vector<16xi32>
    %rem3A_90 = vector.broadcast %jit3A_69 : i32 to vector<16xi32>
    %rem3A_91 = arith.remsi %add3A_11, %rem3A_90 : vector<16xi32>
    %ne3A_92 = arith.constant 0 : i32
    %ne3A_93 = vector.broadcast %ne3A_92 : i32 to vector<16xi32>
    %ne3A_94 = arith.cmpi ne, %rem3A_91, %ne3A_93 : vector<16xi32>
    %and3A_95 = arith.andi %ne3A_89, %ne3A_94 : vector<16xi1>
    %sub3A_96 = arith.constant 1 : i32
    %sub3A_97 = vector.broadcast %sub3A_96 : i32 to vector<16xi32>
    %sub3A_98 = arith.subi %div3A_71, %sub3A_97 : vector<16xi32>
    %select_n3A_99 = arith.select %and3A_95, %sub3A_98, %div3A_71 : vector<16xi1>, vector<16xi32>
    %jit3A_100 = arith.constant 8 : i32
    %div3A_101 = vector.broadcast %jit3A_100 : i32 to vector<16xi32>
    %div3A_102 = arith.divsi %add3A_14, %div3A_101 : vector<16xi32>
    %sign3A_103 = arith.constant 0 : i32
    %sign3A_104 = vector.broadcast %sign3A_103 : i32 to vector<16xi32>
    %sign3A_105 = arith.cmpi sgt, %add3A_14, %sign3A_104 : vector<16xi32>
    %sign3A_106 = arith.extui %sign3A_105 : vector<16xi1> to vector<16xi32>
    %sign3A_107 = arith.constant 0 : i32
    %sign3A_108 = vector.broadcast %sign3A_107 : i32 to vector<16xi32>
    %sign3A_109 = arith.cmpi slt, %add3A_14, %sign3A_108 : vector<16xi32>
    %sign3A_110 = arith.extui %sign3A_109 : vector<16xi1> to vector<16xi32>
    %sign3A_111 = arith.subi %sign3A_106, %sign3A_110 : vector<16xi32>
    %sign3A_112 = arith.constant 0 : i32
    %sign3A_113 = arith.cmpi sgt, %jit3A_100, %sign3A_112 : i32
    %sign3A_114 = arith.extui %sign3A_113 : i1 to i32
    %sign3A_115 = arith.constant 0 : i32
    %sign3A_116 = arith.cmpi slt, %jit3A_100, %sign3A_115 : i32
    %sign3A_117 = arith.extui %sign3A_116 : i1 to i32
    %sign3A_118 = arith.subi %sign3A_114, %sign3A_117 : i32
    %ne3A_119 = vector.broadcast %sign3A_118 : i32 to vector<16xi32>
    %ne3A_120 = arith.cmpi ne, %sign3A_111, %ne3A_119 : vector<16xi32>
    %rem3A_121 = vector.broadcast %jit3A_100 : i32 to vector<16xi32>
    %rem3A_122 = arith.remsi %add3A_14, %rem3A_121 : vector<16xi32>
    %ne3A_123 = arith.constant 0 : i32
    %ne3A_124 = vector.broadcast %ne3A_123 : i32 to vector<16xi32>
    %ne3A_125 = arith.cmpi ne, %rem3A_122, %ne3A_124 : vector<16xi32>
    %and3A_126 = arith.andi %ne3A_120, %ne3A_125 : vector<16xi1>
    %sub3A_127 = arith.constant 1 : i32
    %sub3A_128 = vector.broadcast %sub3A_127 : i32 to vector<16xi32>
    %sub3A_129 = arith.subi %div3A_102, %sub3A_128 : vector<16xi32>
    %select_n3A_130 = arith.select %and3A_126, %sub3A_129, %div3A_102 : vector<16xi1>, vector<16xi32>
    %jit3A_131 = arith.constant 8 : i32
    %div3A_132 = vector.broadcast %jit3A_131 : i32 to vector<16xi32>
    %div3A_133 = arith.divsi %add3A_5, %div3A_132 : vector<16xi32>
    %sign3A_134 = arith.constant 0 : i32
    %sign3A_135 = vector.broadcast %sign3A_134 : i32 to vector<16xi32>
    %sign3A_136 = arith.cmpi sgt, %add3A_5, %sign3A_135 : vector<16xi32>
    %sign3A_137 = arith.extui %sign3A_136 : vector<16xi1> to vector<16xi32>
    %sign3A_138 = arith.constant 0 : i32
    %sign3A_139 = vector.broadcast %sign3A_138 : i32 to vector<16xi32>
    %sign3A_140 = arith.cmpi slt, %add3A_5, %sign3A_139 : vector<16xi32>
    %sign3A_141 = arith.extui %sign3A_140 : vector<16xi1> to vector<16xi32>
    %sign3A_142 = arith.subi %sign3A_137, %sign3A_141 : vector<16xi32>
    %sign3A_143 = arith.constant 0 : i32
    %sign3A_144 = arith.cmpi sgt, %jit3A_131, %sign3A_143 : i32
    %sign3A_145 = arith.extui %sign3A_144 : i1 to i32
    %sign3A_146 = arith.constant 0 : i32
    %sign3A_147 = arith.cmpi slt, %jit3A_131, %sign3A_146 : i32
    %sign3A_148 = arith.extui %sign3A_147 : i1 to i32
    %sign3A_149 = arith.subi %sign3A_145, %sign3A_148 : i32
    %ne3A_150 = vector.broadcast %sign3A_149 : i32 to vector<16xi32>
    %ne3A_151 = arith.cmpi ne, %sign3A_142, %ne3A_150 : vector<16xi32>
    %rem3A_152 = vector.broadcast %jit3A_131 : i32 to vector<16xi32>
    %rem3A_153 = arith.remsi %add3A_5, %rem3A_152 : vector<16xi32>
    %ne3A_154 = arith.constant 0 : i32
    %ne3A_155 = vector.broadcast %ne3A_154 : i32 to vector<16xi32>
    %ne3A_156 = arith.cmpi ne, %rem3A_153, %ne3A_155 : vector<16xi32>
    %and3A_157 = arith.andi %ne3A_151, %ne3A_156 : vector<16xi1>
    %sub3A_158 = arith.constant 1 : i32
    %sub3A_159 = vector.broadcast %sub3A_158 : i32 to vector<16xi32>
    %sub3A_160 = arith.subi %div3A_133, %sub3A_159 : vector<16xi32>
    %select_n3A_161 = arith.select %and3A_157, %sub3A_160, %div3A_133 : vector<16xi1>, vector<16xi32>
    %mul3A_162 = arith.constant 8 : i32
    %mul3A_163 = vector.broadcast %mul3A_162 : i32 to vector<16xi32>
    %mul3A_164 = arith.muli %select_n3A_161, %mul3A_163 : vector<16xi32>
    %sub3A_165 = arith.subi %add3A_5, %mul3A_164 : vector<16xi32>
    %jit3A_166 = arith.constant 8 : i32
    %div3A_167 = vector.broadcast %jit3A_166 : i32 to vector<16xi32>
    %div3A_168 = arith.divsi %add3A_8, %div3A_167 : vector<16xi32>
    %sign3A_169 = arith.constant 0 : i32
    %sign3A_170 = vector.broadcast %sign3A_169 : i32 to vector<16xi32>
    %sign3A_171 = arith.cmpi sgt, %add3A_8, %sign3A_170 : vector<16xi32>
    %sign3A_172 = arith.extui %sign3A_171 : vector<16xi1> to vector<16xi32>
    %sign3A_173 = arith.constant 0 : i32
    %sign3A_174 = vector.broadcast %sign3A_173 : i32 to vector<16xi32>
    %sign3A_175 = arith.cmpi slt, %add3A_8, %sign3A_174 : vector<16xi32>
    %sign3A_176 = arith.extui %sign3A_175 : vector<16xi1> to vector<16xi32>
    %sign3A_177 = arith.subi %sign3A_172, %sign3A_176 : vector<16xi32>
    %sign3A_178 = arith.constant 0 : i32
    %sign3A_179 = arith.cmpi sgt, %jit3A_166, %sign3A_178 : i32
    %sign3A_180 = arith.extui %sign3A_179 : i1 to i32
    %sign3A_181 = arith.constant 0 : i32
    %sign3A_182 = arith.cmpi slt, %jit3A_166, %sign3A_181 : i32
    %sign3A_183 = arith.extui %sign3A_182 : i1 to i32
    %sign3A_184 = arith.subi %sign3A_180, %sign3A_183 : i32
    %ne3A_185 = vector.broadcast %sign3A_184 : i32 to vector<16xi32>
    %ne3A_186 = arith.cmpi ne, %sign3A_177, %ne3A_185 : vector<16xi32>
    %rem3A_187 = vector.broadcast %jit3A_166 : i32 to vector<16xi32>
    %rem3A_188 = arith.remsi %add3A_8, %rem3A_187 : vector<16xi32>
    %ne3A_189 = arith.constant 0 : i32
    %ne3A_190 = vector.broadcast %ne3A_189 : i32 to vector<16xi32>
    %ne3A_191 = arith.cmpi ne, %rem3A_188, %ne3A_190 : vector<16xi32>
    %and3A_192 = arith.andi %ne3A_186, %ne3A_191 : vector<16xi1>
    %sub3A_193 = arith.constant 1 : i32
    %sub3A_194 = vector.broadcast %sub3A_193 : i32 to vector<16xi32>
    %sub3A_195 = arith.subi %div3A_168, %sub3A_194 : vector<16xi32>
    %select_n3A_196 = arith.select %and3A_192, %sub3A_195, %div3A_168 : vector<16xi1>, vector<16xi32>
    %mul3A_197 = arith.constant 8 : i32
    %mul3A_198 = vector.broadcast %mul3A_197 : i32 to vector<16xi32>
    %mul3A_199 = arith.muli %select_n3A_196, %mul3A_198 : vector<16xi32>
    %sub3A_200 = arith.subi %add3A_8, %mul3A_199 : vector<16xi32>
    %jit3A_201 = arith.constant 8 : i32
    %div3A_202 = vector.broadcast %jit3A_201 : i32 to vector<16xi32>
    %div3A_203 = arith.divsi %add3A_11, %div3A_202 : vector<16xi32>
    %sign3A_204 = arith.constant 0 : i32
    %sign3A_205 = vector.broadcast %sign3A_204 : i32 to vector<16xi32>
    %sign3A_206 = arith.cmpi sgt, %add3A_11, %sign3A_205 : vector<16xi32>
    %sign3A_207 = arith.extui %sign3A_206 : vector<16xi1> to vector<16xi32>
    %sign3A_208 = arith.constant 0 : i32
    %sign3A_209 = vector.broadcast %sign3A_208 : i32 to vector<16xi32>
    %sign3A_210 = arith.cmpi slt, %add3A_11, %sign3A_209 : vector<16xi32>
    %sign3A_211 = arith.extui %sign3A_210 : vector<16xi1> to vector<16xi32>
    %sign3A_212 = arith.subi %sign3A_207, %sign3A_211 : vector<16xi32>
    %sign3A_213 = arith.constant 0 : i32
    %sign3A_214 = arith.cmpi sgt, %jit3A_201, %sign3A_213 : i32
    %sign3A_215 = arith.extui %sign3A_214 : i1 to i32
    %sign3A_216 = arith.constant 0 : i32
    %sign3A_217 = arith.cmpi slt, %jit3A_201, %sign3A_216 : i32
    %sign3A_218 = arith.extui %sign3A_217 : i1 to i32
    %sign3A_219 = arith.subi %sign3A_215, %sign3A_218 : i32
    %ne3A_220 = vector.broadcast %sign3A_219 : i32 to vector<16xi32>
    %ne3A_221 = arith.cmpi ne, %sign3A_212, %ne3A_220 : vector<16xi32>
    %rem3A_222 = vector.broadcast %jit3A_201 : i32 to vector<16xi32>
    %rem3A_223 = arith.remsi %add3A_11, %rem3A_222 : vector<16xi32>
    %ne3A_224 = arith.constant 0 : i32
    %ne3A_225 = vector.broadcast %ne3A_224 : i32 to vector<16xi32>
    %ne3A_226 = arith.cmpi ne, %rem3A_223, %ne3A_225 : vector<16xi32>
    %and3A_227 = arith.andi %ne3A_221, %ne3A_226 : vector<16xi1>
    %sub3A_228 = arith.constant 1 : i32
    %sub3A_229 = vector.broadcast %sub3A_228 : i32 to vector<16xi32>
    %sub3A_230 = arith.subi %div3A_203, %sub3A_229 : vector<16xi32>
    %select_n3A_231 = arith.select %and3A_227, %sub3A_230, %div3A_203 : vector<16xi1>, vector<16xi32>
    %mul3A_232 = arith.constant 8 : i32
    %mul3A_233 = vector.broadcast %mul3A_232 : i32 to vector<16xi32>
    %mul3A_234 = arith.muli %select_n3A_231, %mul3A_233 : vector<16xi32>
    %sub3A_235 = arith.subi %add3A_11, %mul3A_234 : vector<16xi32>
    %jit3A_236 = arith.constant 8 : i32
    %div3A_237 = vector.broadcast %jit3A_236 : i32 to vector<16xi32>
    %div3A_238 = arith.divsi %add3A_14, %div3A_237 : vector<16xi32>
    %sign3A_239 = arith.constant 0 : i32
    %sign3A_240 = vector.broadcast %sign3A_239 : i32 to vector<16xi32>
    %sign3A_241 = arith.cmpi sgt, %add3A_14, %sign3A_240 : vector<16xi32>
    %sign3A_242 = arith.extui %sign3A_241 : vector<16xi1> to vector<16xi32>
    %sign3A_243 = arith.constant 0 : i32
    %sign3A_244 = vector.broadcast %sign3A_243 : i32 to vector<16xi32>
    %sign3A_245 = arith.cmpi slt, %add3A_14, %sign3A_244 : vector<16xi32>
    %sign3A_246 = arith.extui %sign3A_245 : vector<16xi1> to vector<16xi32>
    %sign3A_247 = arith.subi %sign3A_242, %sign3A_246 : vector<16xi32>
    %sign3A_248 = arith.constant 0 : i32
    %sign3A_249 = arith.cmpi sgt, %jit3A_236, %sign3A_248 : i32
    %sign3A_250 = arith.extui %sign3A_249 : i1 to i32
    %sign3A_251 = arith.constant 0 : i32
    %sign3A_252 = arith.cmpi slt, %jit3A_236, %sign3A_251 : i32
    %sign3A_253 = arith.extui %sign3A_252 : i1 to i32
    %sign3A_254 = arith.subi %sign3A_250, %sign3A_253 : i32
    %ne3A_255 = vector.broadcast %sign3A_254 : i32 to vector<16xi32>
    %ne3A_256 = arith.cmpi ne, %sign3A_247, %ne3A_255 : vector<16xi32>
    %rem3A_257 = vector.broadcast %jit3A_236 : i32 to vector<16xi32>
    %rem3A_258 = arith.remsi %add3A_14, %rem3A_257 : vector<16xi32>
    %ne3A_259 = arith.constant 0 : i32
    %ne3A_260 = vector.broadcast %ne3A_259 : i32 to vector<16xi32>
    %ne3A_261 = arith.cmpi ne, %rem3A_258, %ne3A_260 : vector<16xi32>
    %and3A_262 = arith.andi %ne3A_256, %ne3A_261 : vector<16xi1>
    %sub3A_263 = arith.constant 1 : i32
    %sub3A_264 = vector.broadcast %sub3A_263 : i32 to vector<16xi32>
    %sub3A_265 = arith.subi %div3A_238, %sub3A_264 : vector<16xi32>
    %select_n3A_266 = arith.select %and3A_262, %sub3A_265, %div3A_238 : vector<16xi1>, vector<16xi32>
    %mul3A_267 = arith.constant 8 : i32
    %mul3A_268 = vector.broadcast %mul3A_267 : i32 to vector<16xi32>
    %mul3A_269 = arith.muli %select_n3A_266, %mul3A_268 : vector<16xi32>
    %sub3A_270 = arith.subi %add3A_14, %mul3A_269 : vector<16xi32>
    %broadcast_in_dim3A = arith.constant 0 : i32
    %broadcast_in_dim3A_271 = vector.broadcast %broadcast_in_dim3A : i32 to vector<16xi32>
    %mul3A_272 = arith.constant 128 : i32
    %mul3A_273 = arith.muli %mul3A_2, %mul3A_272 : i32
    %mul3A_274 = arith.constant 50 : i32
    %mul3A_275 = arith.muli %mul3A_273, %mul3A_274 : i32
    %multiple_of3A = tpu.assume_multiple %mul3A_275, 25600 : i32
    "tpu.region"() ({
      %run_scoped3A = tpu.sem_alloc : memref<!tpu.dma_semaphore, #tpu.memory_space<semaphore_mem>>
      %dma_start3A_372 = tpu.memref_slice %arg2[%multiple_of3A] : memref<819200xi32, #tpu.memory_space<hbm>> -> memref<25600xi32, #tpu.memory_space<hbm>>
      %dma_start3A_373 = tpu.memref_slice %arg2[%multiple_of3A] : memref<819200xi32, #tpu.memory_space<hbm>> -> memref<25600xi32, #tpu.memory_space<hbm>>
      tpu.enqueue_dma source(%dma_start3A_373 : memref<25600xi32, #tpu.memory_space<hbm>>) target(%arg5 : memref<25600xi32, #tpu.memory_space<vmem>>) target_semaphore(%run_scoped3A : memref<!tpu.dma_semaphore, #tpu.memory_space<semaphore_mem>>)
      %dma_wait3A_374 = tpu.memref_slice %arg2[%multiple_of3A] : memref<819200xi32, #tpu.memory_space<hbm>> -> memref<25600xi32, #tpu.memory_space<hbm>>
      %dma_wait3A_375 = tpu.memref_slice %arg2[%multiple_of3A] : memref<819200xi32, #tpu.memory_space<hbm>> -> memref<25600xi32, #tpu.memory_space<hbm>>
      tpu.wait_dma2 semaphore(%run_scoped3A : memref<!tpu.dma_semaphore, #tpu.memory_space<semaphore_mem>>) src(%dma_wait3A_375 : memref<25600xi32, #tpu.memory_space<hbm>>) dst(%arg5 : memref<25600xi32, #tpu.memory_space<vmem>>)
      tpu.yield
    }) : () -> ()
    %mul3A_276 = arith.constant 50 : i32
    %mul3A_277 = vector.broadcast %mul3A_276 : i32 to vector<16xi32>
    %mul3A_278 = arith.muli %iota3A, %mul3A_277 : vector<16xi32>
    %scan3A = arith.constant 0 : i32
    %scan3A_279 = arith.constant 0 : i32
    %scan3A_280 = arith.constant 50 : i32
    %scan3A_281 = arith.addi %scan3A_279, %scan3A_280 : i32
    %scan3A_282 = arith.constant 1 : i32
    scf.for %scan3A_372 = %scan3A_279 to %scan3A_281 step %scan3A_282  : i32 {
      %scan3A_373 = arith.constant 0 : i32
      %scan3A_374 = arith.constant 32 : i32
      %scan3A_375 = arith.addi %scan3A_373, %scan3A_374 : i32
      %scan3A_376 = arith.constant 1 : i32
      scf.for %scan3A_378 = %scan3A_373 to %scan3A_375 step %scan3A_376  : i32 {
        %mul3A_379 = arith.constant 800 : i32
        %mul3A_380 = arith.muli %scan3A_378, %mul3A_379 : i32
        %add3A_381 = arith.addi %mul3A_380, %scan3A_372 : i32
        %add3A_382 = vector.broadcast %add3A_381 : i32 to vector<16xi32>
        %add3A_383 = arith.addi %mul3A_278, %add3A_382 : vector<16xi32>
        %gather3A = tpu.vector_load_idx %arg5[%add3A_383] : memref<25600xi32, #tpu.memory_space<vmem>>[vector<16xi32>], vector<16xi32>,
        %add3A_384 = arith.addi %gather3A, %gather3A : vector<16xi32>
        %mul3A_385 = arith.constant 16 : i32
        %mul3A_386 = arith.muli %scan3A_378, %mul3A_385 : i32
        %swap3A = arith.index_cast %scan3A_372 : i32 to index
        %swap3A_387 = arith.index_cast %mul3A_386 : i32 to index
        %swap3A_388 = tpu.vector_load %arg6[%swap3A, %swap3A_387] {strides = array<i32>} : memref<50x512xi32, #tpu.memory_space<vmem>>, vector<16xi32>,
        tpu.vector_store %arg6[%swap3A, %swap3A_387], %add3A_384 {strides = array<i32>} : memref<50x512xi32, #tpu.memory_space<vmem>>, vector<16xi32>,
      }
      %scan3A_377 = arith.constant 32 : i32
    }
    %scan3A_283 = arith.constant 50 : i32
    %multiple_of3A_284 = arith.constant 0 : i32
    %multiple_of3A_285 = tpu.assume_multiple %multiple_of3A_284, 128 : i32
    %dma_start3A = arith.constant 0 : i32
    %dma_start3A_286 = arith.constant 0 : i32
    %dma_start3A_287 = arith.constant 0 : i32
    %dma_start3A_288 = arith.constant 0 : i32
    %dma_start3A_289 = tpu.memref_slice %arg7[%dma_start3A_286, %dma_start3A_287, %dma_start3A_288] : memref<2x128x64xf32, #tpu.memory_space<vmem>> -> memref<1x128x64xf32, #tpu.memory_space<vmem>>
    %dma_start3A_290 = tpu.memref_squeeze %dma_start3A_289 : memref<1x128x64xf32, #tpu.memory_space<vmem>> -> memref<128x64xf32, #tpu.memory_space<vmem>>
    %dma_start3A_291 = tpu.memref_slice %arg6[%dma_start3A, %multiple_of3A_285] : memref<50x512xi32, #tpu.memory_space<vmem>> -> memref<1x128xi32, #tpu.memory_space<vmem>>
    %dma_start3A_292 = tpu.memref_squeeze %dma_start3A_291 : memref<1x128xi32, #tpu.memory_space<vmem>> -> memref<128xi32, #tpu.memory_space<vmem>>
    %dma_start3A_293 = arith.constant 0 : i32
    %dma_start3A_294 = arith.constant 0 : i32
    %dma_start3A_295 = tpu.memref_slice %arg3[%dma_start3A_293, %dma_start3A_294] : memref<2000000x64xf32, #tpu.memory_space<hbm>> -> memref<2000000x64xf32, #tpu.memory_space<hbm>>
    tpu.enqueue_indirect_dma source(%dma_start3A_295 : memref<2000000x64xf32, #tpu.memory_space<hbm>>) target(%dma_start3A_290 : memref<128x64xf32, #tpu.memory_space<vmem>>) offsets(%dma_start3A_292 : memref<128xi32, #tpu.memory_space<vmem>>) semaphore(%arg9 : memref<!tpu.dma_semaphore, #tpu.memory_space<semaphore_mem>>)
    %scan3A_296 = arith.constant 0 : i32
    %scan3A_297 = arith.constant 100 : i32
    %scan3A_298 = arith.addi %scan3A_296, %scan3A_297 : i32
    %scan3A_299 = arith.constant 1 : i32
    scf.for %scan3A_372 = %scan3A_296 to %scan3A_298 step %scan3A_299  : i32 {
      %mul3A_373 = arith.constant 2 : i32
      %mul3A_374 = arith.muli %scan3A_372, %mul3A_373 : i32
      %add3A_375 = arith.constant 0 : i32
      %add3A_376 = arith.addi %add3A_375, %mul3A_374 : i32
      %add3A_377 = arith.constant 0 : i32
      %add3A_378 = arith.addi %add3A_376, %add3A_377 : i32
      %add3A_379 = arith.constant 1 : i32
      %add3A_380 = arith.addi %add3A_378, %add3A_379 : i32
      %lt3A = arith.constant 200 : i32
      %lt3A_381 = arith.cmpi slt, %add3A_380, %lt3A : i32
      %convert_element_type3A = arith.extui %lt3A_381 : i1 to i32
      %cond3A = arith.constant 0 : i32
      %cond3A_382 = arith.cmpi ne, %convert_element_type3A, %cond3A : i32
      scf.if %cond3A_382 {
        %add3A_569 = arith.constant 1 : i32
        %add3A_570 = arith.addi %add3A_378, %add3A_569 : i32
        %jit3A_571 = arith.constant 50 : i32
        %div3A_572 = arith.divsi %add3A_570, %jit3A_571 : i32
        %sign3A_573 = arith.constant 0 : i32
        %sign3A_574 = arith.cmpi sgt, %add3A_570, %sign3A_573 : i32
        %sign3A_575 = arith.extui %sign3A_574 : i1 to i32
        %sign3A_576 = arith.constant 0 : i32
        %sign3A_577 = arith.cmpi slt, %add3A_570, %sign3A_576 : i32
        %sign3A_578 = arith.extui %sign3A_577 : i1 to i32
        %sign3A_579 = arith.subi %sign3A_575, %sign3A_578 : i32
        %sign3A_580 = arith.constant 0 : i32
        %sign3A_581 = arith.cmpi sgt, %jit3A_571, %sign3A_580 : i32
        %sign3A_582 = arith.extui %sign3A_581 : i1 to i32
        %sign3A_583 = arith.constant 0 : i32
        %sign3A_584 = arith.cmpi slt, %jit3A_571, %sign3A_583 : i32
        %sign3A_585 = arith.extui %sign3A_584 : i1 to i32
        %sign3A_586 = arith.subi %sign3A_582, %sign3A_585 : i32
        %ne3A_587 = arith.cmpi ne, %sign3A_579, %sign3A_586 : i32
        %rem3A_588 = arith.remsi %add3A_570, %jit3A_571 : i32
        %ne3A_589 = arith.constant 0 : i32
        %ne3A_590 = arith.cmpi ne, %rem3A_588, %ne3A_589 : i32
        %and3A_591 = arith.andi %ne3A_587, %ne3A_590 : i1
        %sub3A_592 = arith.constant 1 : i32
        %sub3A_593 = arith.subi %div3A_572, %sub3A_592 : i32
        %select_n3A_594 = arith.select %and3A_591, %sub3A_593, %div3A_572 : i32
        %mul3A_595 = arith.constant 50 : i32
        %mul3A_596 = arith.muli %select_n3A_594, %mul3A_595 : i32
        %sub3A_597 = arith.subi %add3A_570, %mul3A_596 : i32
        %mul3A_598 = arith.constant 128 : i32
        %mul3A_599 = arith.muli %select_n3A_594, %mul3A_598 : i32
        %multiple_of3A_600 = tpu.assume_multiple %mul3A_599, 128 : i32
        %dma_start3A_601 = arith.constant 1 : i32
        %dma_start3A_602 = arith.constant 0 : i32
        %dma_start3A_603 = arith.constant 0 : i32
        %dma_start3A_604 = tpu.memref_slice %arg7[%dma_start3A_601, %dma_start3A_602, %dma_start3A_603] : memref<2x128x64xf32, #tpu.memory_space<vmem>> -> memref<1x128x64xf32, #tpu.memory_space<vmem>>
        %dma_start3A_605 = tpu.memref_squeeze %dma_start3A_604 : memref<1x128x64xf32, #tpu.memory_space<vmem>> -> memref<128x64xf32, #tpu.memory_space<vmem>>
        %dma_start3A_606 = tpu.memref_slice %arg6[%sub3A_597, %multiple_of3A_600] : memref<50x512xi32, #tpu.memory_space<vmem>> -> memref<1x128xi32, #tpu.memory_space<vmem>>
        %dma_start3A_607 = tpu.memref_squeeze %dma_start3A_606 : memref<1x128xi32, #tpu.memory_space<vmem>> -> memref<128xi32, #tpu.memory_space<vmem>>
        %dma_start3A_608 = arith.constant 0 : i32
        %dma_start3A_609 = arith.constant 0 : i32
        %dma_start3A_610 = tpu.memref_slice %arg3[%dma_start3A_608, %dma_start3A_609] : memref<2000000x64xf32, #tpu.memory_space<hbm>> -> memref<2000000x64xf32, #tpu.memory_space<hbm>>
        tpu.enqueue_indirect_dma source(%dma_start3A_610 : memref<2000000x64xf32, #tpu.memory_space<hbm>>) target(%dma_start3A_605 : memref<128x64xf32, #tpu.memory_space<vmem>>) offsets(%dma_start3A_607 : memref<128xi32, #tpu.memory_space<vmem>>) semaphore(%arg10 : memref<!tpu.dma_semaphore, #tpu.memory_space<semaphore_mem>>)
      } else {
      }
      %dma_wait3A_383 = arith.constant 0 : i32
      %dma_wait3A_384 = arith.constant 0 : i32
      %dma_wait3A_385 = arith.constant 0 : i32
      %dma_wait3A_386 = tpu.memref_slice %arg7[%dma_wait3A_383, %dma_wait3A_384, %dma_wait3A_385] : memref<2x128x64xf32, #tpu.memory_space<vmem>> -> memref<1x128x64xf32, #tpu.memory_space<vmem>>
      %dma_wait3A_387 = tpu.memref_squeeze %dma_wait3A_386 : memref<1x128x64xf32, #tpu.memory_space<vmem>> -> memref<128x64xf32, #tpu.memory_space<vmem>>
      %dma_wait3A_388 = arith.constant 0 : i32
      %dma_wait3A_389 = arith.constant 0 : i32
      %dma_wait3A_390 = tpu.memref_slice %arg3[%dma_wait3A_388, %dma_wait3A_389] : memref<2000000x64xf32, #tpu.memory_space<hbm>> -> memref<128x64xf32, #tpu.memory_space<hbm>>
      %dma_wait3A_391 = arith.constant 0 : i32
      %dma_wait3A_392 = arith.constant 0 : i32
      %dma_wait3A_393 = tpu.memref_slice %arg7[%dma_wait3A_383, %dma_wait3A_391, %dma_wait3A_392] : memref<2x128x64xf32, #tpu.memory_space<vmem>> -> memref<1x128x64xf32, #tpu.memory_space<vmem>>
      %dma_wait3A_394 = tpu.memref_squeeze %dma_wait3A_393 : memref<1x128x64xf32, #tpu.memory_space<vmem>> -> memref<128x64xf32, #tpu.memory_space<vmem>>
      %dma_wait3A_395 = arith.constant 0 : i32
      %dma_wait3A_396 = arith.constant 0 : i32
      %dma_wait3A_397 = tpu.memref_slice %arg3[%dma_wait3A_395, %dma_wait3A_396] : memref<2000000x64xf32, #tpu.memory_space<hbm>> -> memref<128x64xf32, #tpu.memory_space<hbm>>
      tpu.wait_dma2 semaphore(%arg9 : memref<!tpu.dma_semaphore, #tpu.memory_space<semaphore_mem>>) src(%dma_wait3A_397 : memref<128x64xf32, #tpu.memory_space<hbm>>) dst(%dma_wait3A_394 : memref<128x64xf32, #tpu.memory_space<vmem>>)
      %ge3A = arith.constant 2 : i32
      %ge3A_398 = arith.cmpi sge, %add3A_376, %ge3A : i32
      %convert_element_type3A_399 = arith.extui %ge3A_398 : i1 to i32
      %cond3A_400 = arith.constant 0 : i32
      %cond3A_401 = arith.cmpi ne, %convert_element_type3A_399, %cond3A_400 : i32
      scf.if %cond3A_401 {
        %dma_wait3A_569 = arith.constant 0 : i32
        %dma_wait3A_570 = arith.constant 0 : i32
        %dma_wait3A_571 = arith.constant 0 : i32
        %dma_wait3A_572 = arith.constant 0 : i32
        %dma_wait3A_573 = arith.constant 0 : i32
        %dma_wait3A_574 = arith.constant 0 : i32
        %dma_wait3A_575 = tpu.memref_slice %arg8[%dma_wait3A_569, %dma_wait3A_571, %dma_wait3A_572, %dma_wait3A_573, %dma_wait3A_574] : memref<2x8x1x8x129xf32, #tpu.memory_space<vmem>> -> memref<1x8x1x8x129xf32, #tpu.memory_space<vmem>>
        %dma_wait3A_576 = tpu.memref_squeeze %dma_wait3A_575 : memref<1x8x1x8x129xf32, #tpu.memory_space<vmem>> -> memref<8x1x8x129xf32, #tpu.memory_space<vmem>>
        %dma_wait3A_577 = arith.constant 0 : i32
        %dma_wait3A_578 = arith.constant 0 : i32
        %dma_wait3A_579 = arith.constant 0 : i32
        %dma_wait3A_580 = arith.constant 0 : i32
        %dma_wait3A_581 = tpu.memref_slice %dma_wait3A_576[%dma_wait3A_577, %dma_wait3A_578, %dma_wait3A_579, %dma_wait3A_580] : memref<8x1x8x129xf32, #tpu.memory_space<vmem>> -> memref<8x1x8x128xf32, #tpu.memory_space<vmem>>
        %dma_wait3A_582 = arith.constant 0 : i32
        %dma_wait3A_583 = arith.constant 0 : i32
        %dma_wait3A_584 = arith.constant 0 : i32
        %dma_wait3A_585 = arith.constant 0 : i32
        %dma_wait3A_586 = tpu.memref_slice %arg4[%dma_wait3A_570, %dma_wait3A_582, %dma_wait3A_583, %dma_wait3A_584, %dma_wait3A_585] : memref<50x8x128x8x128xf32, #tpu.memory_space<hbm>> -> memref<1x8x1x8x128xf32, #tpu.memory_space<hbm>>
        %dma_wait3A_587 = tpu.memref_squeeze %dma_wait3A_586 : memref<1x8x1x8x128xf32, #tpu.memory_space<hbm>> -> memref<8x1x8x128xf32, #tpu.memory_space<hbm>>
        %dma_wait3A_588 = arith.constant 0 : i32
        %dma_wait3A_589 = arith.constant 0 : i32
        %dma_wait3A_590 = arith.constant 0 : i32
        %dma_wait3A_591 = arith.constant 0 : i32
        %dma_wait3A_592 = tpu.memref_slice %arg4[%dma_wait3A_570, %dma_wait3A_588, %dma_wait3A_589, %dma_wait3A_590, %dma_wait3A_591] : memref<50x8x128x8x128xf32, #tpu.memory_space<hbm>> -> memref<1x8x1x8x128xf32, #tpu.memory_space<hbm>>
        %dma_wait3A_593 = tpu.memref_squeeze %dma_wait3A_592 : memref<1x8x1x8x128xf32, #tpu.memory_space<hbm>> -> memref<8x1x8x128xf32, #tpu.memory_space<hbm>>
        %dma_wait3A_594 = arith.constant 0 : i32
        %dma_wait3A_595 = arith.constant 0 : i32
        %dma_wait3A_596 = arith.constant 0 : i32
        %dma_wait3A_597 = arith.constant 0 : i32
        %dma_wait3A_598 = tpu.memref_slice %arg8[%dma_wait3A_569, %dma_wait3A_594, %dma_wait3A_595, %dma_wait3A_596, %dma_wait3A_597] : memref<2x8x1x8x129xf32, #tpu.memory_space<vmem>> -> memref<1x8x1x8x129xf32, #tpu.memory_space<vmem>>
        %dma_wait3A_599 = tpu.memref_squeeze %dma_wait3A_598 : memref<1x8x1x8x129xf32, #tpu.memory_space<vmem>> -> memref<8x1x8x129xf32, #tpu.memory_space<vmem>>
        %dma_wait3A_600 = arith.constant 0 : i32
        %dma_wait3A_601 = arith.constant 0 : i32
        %dma_wait3A_602 = arith.constant 0 : i32
        %dma_wait3A_603 = arith.constant 0 : i32
        %dma_wait3A_604 = tpu.memref_slice %dma_wait3A_599[%dma_wait3A_600, %dma_wait3A_601, %dma_wait3A_602, %dma_wait3A_603] : memref<8x1x8x129xf32, #tpu.memory_space<vmem>> -> memref<8x1x8x128xf32, #tpu.memory_space<vmem>>
        tpu.wait_dma2 semaphore(%arg11 : memref<!tpu.dma_semaphore, #tpu.memory_space<semaphore_mem>>) src(%dma_wait3A_604 : memref<8x1x8x128xf32, #tpu.memory_space<vmem>>) dst(%dma_wait3A_593 : memref<8x1x8x128xf32, #tpu.memory_space<hbm>>)
      } else {
      }
      %broadcast_in_dim3A_402 = arith.constant 0 : i32
      %broadcast_in_dim3A_403 = vector.broadcast %broadcast_in_dim3A_402 : i32 to vector<16xi32>
      %scan3A_404 = arith.constant 0 : i32
      %scan3A_405 = arith.constant 0 : i32
      %scan3A_406 = arith.constant 128 : i32
      %scan3A_407 = arith.addi %scan3A_405, %scan3A_406 : i32
      %scan3A_408 = arith.constant 8 : i32
      scf.for %scan3A_569 = %scan3A_405 to %scan3A_407 step %scan3A_408  : i32 {
        %add3A_570 = vector.broadcast %scan3A_569 : i32 to vector<16xi32>
        %add3A_571 = arith.addi %broadcast_in_dim3A_271, %add3A_570 : vector<16xi32>
        %get3A = arith.constant 0 : i32
        %get3A_572 = arith.index_cast %get3A : i32 to index
        %get3A_573 = arith.index_cast %scan3A_569 : i32 to index
        %get3A_574 = arith.constant 0 : index
        %get3A_575 = tpu.vector_load %arg7[%get3A_572, %get3A_573, %get3A_574] {strides = array<i32>} : memref<2x128x64xf32, #tpu.memory_space<vmem>>, vector<16xf32>,
        tpu.vector_store_idx %arg8[%broadcast_in_dim3A_403, %select_n3A, %broadcast_in_dim3A_271, %sub3A_165, %add3A_571], %get3A_575 : memref<2x8x1x8x129xf32, #tpu.memory_space<vmem>>[vector<16xi32>, vector<16xi32>, vector<16xi32>, vector<16xi32>, vector<16xi32>], vector<16xf32>,
        %get3A_576 = arith.constant 0 : i32
        %get3A_577 = arith.index_cast %get3A_576 : i32 to index
        %get3A_578 = arith.index_cast %scan3A_569 : i32 to index
        %get3A_579 = arith.constant 16 : index
        %get3A_580 = tpu.vector_load %arg7[%get3A_577, %get3A_578, %get3A_579] {strides = array<i32>} : memref<2x128x64xf32, #tpu.memory_space<vmem>>, vector<16xf32>,
        tpu.vector_store_idx %arg8[%broadcast_in_dim3A_403, %select_n3A_68, %broadcast_in_dim3A_271, %sub3A_200, %add3A_571], %get3A_580 : memref<2x8x1x8x129xf32, #tpu.memory_space<vmem>>[vector<16xi32>, vector<16xi32>, vector<16xi32>, vector<16xi32>, vector<16xi32>], vector<16xf32>,
        %get3A_581 = arith.constant 0 : i32
        %get3A_582 = arith.index_cast %get3A_581 : i32 to index
        %get3A_583 = arith.index_cast %scan3A_569 : i32 to index
        %get3A_584 = arith.constant 32 : index
        %get3A_585 = tpu.vector_load %arg7[%get3A_582, %get3A_583, %get3A_584] {strides = array<i32>} : memref<2x128x64xf32, #tpu.memory_space<vmem>>, vector<16xf32>,
        tpu.vector_store_idx %arg8[%broadcast_in_dim3A_403, %select_n3A_99, %broadcast_in_dim3A_271, %sub3A_235, %add3A_571], %get3A_585 : memref<2x8x1x8x129xf32, #tpu.memory_space<vmem>>[vector<16xi32>, vector<16xi32>, vector<16xi32>, vector<16xi32>, vector<16xi32>], vector<16xf32>,
        %get3A_586 = arith.constant 0 : i32
        %get3A_587 = arith.index_cast %get3A_586 : i32 to index
        %get3A_588 = arith.index_cast %scan3A_569 : i32 to index
        %get3A_589 = arith.constant 48 : index
        %get3A_590 = tpu.vector_load %arg7[%get3A_587, %get3A_588, %get3A_589] {strides = array<i32>} : memref<2x128x64xf32, #tpu.memory_space<vmem>>, vector<16xf32>,
        tpu.vector_store_idx %arg8[%broadcast_in_dim3A_403, %select_n3A_130, %broadcast_in_dim3A_271, %sub3A_270, %add3A_571], %get3A_590 : memref<2x8x1x8x129xf32, #tpu.memory_space<vmem>>[vector<16xi32>, vector<16xi32>, vector<16xi32>, vector<16xi32>, vector<16xi32>], vector<16xf32>,
        %scan3A_591 = arith.constant 1 : i32
        %scan3A_592 = arith.addi %scan3A_569, %scan3A_591 : i32
        %add3A_593 = vector.broadcast %scan3A_592 : i32 to vector<16xi32>
        %add3A_594 = arith.addi %broadcast_in_dim3A_271, %add3A_593 : vector<16xi32>
        %get3A_595 = arith.constant 0 : i32
        %get3A_596 = arith.index_cast %get3A_595 : i32 to index
        %get3A_597 = arith.index_cast %scan3A_592 : i32 to index
        %get3A_598 = arith.constant 0 : index
        %get3A_599 = tpu.vector_load %arg7[%get3A_596, %get3A_597, %get3A_598] {strides = array<i32>} : memref<2x128x64xf32, #tpu.memory_space<vmem>>, vector<16xf32>,
        tpu.vector_store_idx %arg8[%broadcast_in_dim3A_403, %select_n3A, %broadcast_in_dim3A_271, %sub3A_165, %add3A_594], %get3A_599 : memref<2x8x1x8x129xf32, #tpu.memory_space<vmem>>[vector<16xi32>, vector<16xi32>, vector<16xi32>, vector<16xi32>, vector<16xi32>], vector<16xf32>,
        %get3A_600 = arith.constant 0 : i32
        %get3A_601 = arith.index_cast %get3A_600 : i32 to index
        %get3A_602 = arith.index_cast %scan3A_592 : i32 to index
        %get3A_603 = arith.constant 16 : index
        %get3A_604 = tpu.vector_load %arg7[%get3A_601, %get3A_602, %get3A_603] {strides = array<i32>} : memref<2x128x64xf32, #tpu.memory_space<vmem>>, vector<16xf32>,
        tpu.vector_store_idx %arg8[%broadcast_in_dim3A_403, %select_n3A_68, %broadcast_in_dim3A_271, %sub3A_200, %add3A_594], %get3A_604 : memref<2x8x1x8x129xf32, #tpu.memory_space<vmem>>[vector<16xi32>, vector<16xi32>, vector<16xi32>, vector<16xi32>, vector<16xi32>], vector<16xf32>,
        %get3A_605 = arith.constant 0 : i32
        %get3A_606 = arith.index_cast %get3A_605 : i32 to index
        %get3A_607 = arith.index_cast %scan3A_592 : i32 to index
        %get3A_608 = arith.constant 32 : index
        %get3A_609 = tpu.vector_load %arg7[%get3A_606, %get3A_607, %get3A_608] {strides = array<i32>} : memref<2x128x64xf32, #tpu.memory_space<vmem>>, vector<16xf32>,
        tpu.vector_store_idx %arg8[%broadcast_in_dim3A_403, %select_n3A_99, %broadcast_in_dim3A_271, %sub3A_235, %add3A_594], %get3A_609 : memref<2x8x1x8x129xf32, #tpu.memory_space<vmem>>[vector<16xi32>, vector<16xi32>, vector<16xi32>, vector<16xi32>, vector<16xi32>], vector<16xf32>,
        %get3A_610 = arith.constant 0 : i32
        %get3A_611 = arith.index_cast %get3A_610 : i32 to index
        %get3A_612 = arith.index_cast %scan3A_592 : i32 to index
        %get3A_613 = arith.constant 48 : index
        %get3A_614 = tpu.vector_load %arg7[%get3A_611, %get3A_612, %get3A_613] {strides = array<i32>} : memref<2x128x64xf32, #tpu.memory_space<vmem>>, vector<16xf32>,
        tpu.vector_store_idx %arg8[%broadcast_in_dim3A_403, %select_n3A_130, %broadcast_in_dim3A_271, %sub3A_270, %add3A_594], %get3A_614 : memref<2x8x1x8x129xf32, #tpu.memory_space<vmem>>[vector<16xi32>, vector<16xi32>, vector<16xi32>, vector<16xi32>, vector<16xi32>], vector<16xf32>,
        %scan3A_615 = arith.constant 2 : i32
        %scan3A_616 = arith.addi %scan3A_569, %scan3A_615 : i32
        %add3A_617 = vector.broadcast %scan3A_616 : i32 to vector<16xi32>
        %add3A_618 = arith.addi %broadcast_in_dim3A_271, %add3A_617 : vector<16xi32>
        %get3A_619 = arith.constant 0 : i32
        %get3A_620 = arith.index_cast %get3A_619 : i32 to index
        %get3A_621 = arith.index_cast %scan3A_616 : i32 to index
        %get3A_622 = arith.constant 0 : index
        %get3A_623 = tpu.vector_load %arg7[%get3A_620, %get3A_621, %get3A_622] {strides = array<i32>} : memref<2x128x64xf32, #tpu.memory_space<vmem>>, vector<16xf32>,
        tpu.vector_store_idx %arg8[%broadcast_in_dim3A_403, %select_n3A, %broadcast_in_dim3A_271, %sub3A_165, %add3A_618], %get3A_623 : memref<2x8x1x8x129xf32, #tpu.memory_space<vmem>>[vector<16xi32>, vector<16xi32>, vector<16xi32>, vector<16xi32>, vector<16xi32>], vector<16xf32>,
        %get3A_624 = arith.constant 0 : i32
        %get3A_625 = arith.index_cast %get3A_624 : i32 to index
        %get3A_626 = arith.index_cast %scan3A_616 : i32 to index
        %get3A_627 = arith.constant 16 : index
        %get3A_628 = tpu.vector_load %arg7[%get3A_625, %get3A_626, %get3A_627] {strides = array<i32>} : memref<2x128x64xf32, #tpu.memory_space<vmem>>, vector<16xf32>,
        tpu.vector_store_idx %arg8[%broadcast_in_dim3A_403, %select_n3A_68, %broadcast_in_dim3A_271, %sub3A_200, %add3A_618], %get3A_628 : memref<2x8x1x8x129xf32, #tpu.memory_space<vmem>>[vector<16xi32>, vector<16xi32>, vector<16xi32>, vector<16xi32>, vector<16xi32>], vector<16xf32>,
        %get3A_629 = arith.constant 0 : i32
        %get3A_630 = arith.index_cast %get3A_629 : i32 to index
        %get3A_631 = arith.index_cast %scan3A_616 : i32 to index
        %get3A_632 = arith.constant 32 : index
        %get3A_633 = tpu.vector_load %arg7[%get3A_630, %get3A_631, %get3A_632] {strides = array<i32>} : memref<2x128x64xf32, #tpu.memory_space<vmem>>, vector<16xf32>,
        tpu.vector_store_idx %arg8[%broadcast_in_dim3A_403, %select_n3A_99, %broadcast_in_dim3A_271, %sub3A_235, %add3A_618], %get3A_633 : memref<2x8x1x8x129xf32, #tpu.memory_space<vmem>>[vector<16xi32>, vector<16xi32>, vector<16xi32>, vector<16xi32>, vector<16xi32>], vector<16xf32>,
        %get3A_634 = arith.constant 0 : i32
        %get3A_635 = arith.index_cast %get3A_634 : i32 to index
        %get3A_636 = arith.index_cast %scan3A_616 : i32 to index
        %get3A_637 = arith.constant 48 : index
        %get3A_638 = tpu.vector_load %arg7[%get3A_635, %get3A_636, %get3A_637] {strides = array<i32>} : memref<2x128x64xf32, #tpu.memory_space<vmem>>, vector<16xf32>,
        tpu.vector_store_idx %arg8[%broadcast_in_dim3A_403, %select_n3A_130, %broadcast_in_dim3A_271, %sub3A_270, %add3A_618], %get3A_638 : memref<2x8x1x8x129xf32, #tpu.memory_space<vmem>>[vector<16xi32>, vector<16xi32>, vector<16xi32>, vector<16xi32>, vector<16xi32>], vector<16xf32>,
        %scan3A_639 = arith.constant 3 : i32
        %scan3A_640 = arith.addi %scan3A_569, %scan3A_639 : i32
        %add3A_641 = vector.broadcast %scan3A_640 : i32 to vector<16xi32>
        %add3A_642 = arith.addi %broadcast_in_dim3A_271, %add3A_641 : vector<16xi32>
        %get3A_643 = arith.constant 0 : i32
        %get3A_644 = arith.index_cast %get3A_643 : i32 to index
        %get3A_645 = arith.index_cast %scan3A_640 : i32 to index
        %get3A_646 = arith.constant 0 : index
        %get3A_647 = tpu.vector_load %arg7[%get3A_644, %get3A_645, %get3A_646] {strides = array<i32>} : memref<2x128x64xf32, #tpu.memory_space<vmem>>, vector<16xf32>,
        tpu.vector_store_idx %arg8[%broadcast_in_dim3A_403, %select_n3A, %broadcast_in_dim3A_271, %sub3A_165, %add3A_642], %get3A_647 : memref<2x8x1x8x129xf32, #tpu.memory_space<vmem>>[vector<16xi32>, vector<16xi32>, vector<16xi32>, vector<16xi32>, vector<16xi32>], vector<16xf32>,
        %get3A_648 = arith.constant 0 : i32
        %get3A_649 = arith.index_cast %get3A_648 : i32 to index
        %get3A_650 = arith.index_cast %scan3A_640 : i32 to index
        %get3A_651 = arith.constant 16 : index
        %get3A_652 = tpu.vector_load %arg7[%get3A_649, %get3A_650, %get3A_651] {strides = array<i32>} : memref<2x128x64xf32, #tpu.memory_space<vmem>>, vector<16xf32>,
        tpu.vector_store_idx %arg8[%broadcast_in_dim3A_403, %select_n3A_68, %broadcast_in_dim3A_271, %sub3A_200, %add3A_642], %get3A_652 : memref<2x8x1x8x129xf32, #tpu.memory_space<vmem>>[vector<16xi32>, vector<16xi32>, vector<16xi32>, vector<16xi32>, vector<16xi32>], vector<16xf32>,
        %get3A_653 = arith.constant 0 : i32
        %get3A_654 = arith.index_cast %get3A_653 : i32 to index
        %get3A_655 = arith.index_cast %scan3A_640 : i32 to index
        %get3A_656 = arith.constant 32 : index
        %get3A_657 = tpu.vector_load %arg7[%get3A_654, %get3A_655, %get3A_656] {strides = array<i32>} : memref<2x128x64xf32, #tpu.memory_space<vmem>>, vector<16xf32>,
        tpu.vector_store_idx %arg8[%broadcast_in_dim3A_403, %select_n3A_99, %broadcast_in_dim3A_271, %sub3A_235, %add3A_642], %get3A_657 : memref<2x8x1x8x129xf32, #tpu.memory_space<vmem>>[vector<16xi32>, vector<16xi32>, vector<16xi32>, vector<16xi32>, vector<16xi32>], vector<16xf32>,
        %get3A_658 = arith.constant 0 : i32
        %get3A_659 = arith.index_cast %get3A_658 : i32 to index
        %get3A_660 = arith.index_cast %scan3A_640 : i32 to index
        %get3A_661 = arith.constant 48 : index
        %get3A_662 = tpu.vector_load %arg7[%get3A_659, %get3A_660, %get3A_661] {strides = array<i32>} : memref<2x128x64xf32, #tpu.memory_space<vmem>>, vector<16xf32>,
        tpu.vector_store_idx %arg8[%broadcast_in_dim3A_403, %select_n3A_130, %broadcast_in_dim3A_271, %sub3A_270, %add3A_642], %get3A_662 : memref<2x8x1x8x129xf32, #tpu.memory_space<vmem>>[vector<16xi32>, vector<16xi32>, vector<16xi32>, vector<16xi32>, vector<16xi32>], vector<16xf32>,
        %scan3A_663 = arith.constant 4 : i32
        %scan3A_664 = arith.addi %scan3A_569, %scan3A_663 : i32
        %add3A_665 = vector.broadcast %scan3A_664 : i32 to vector<16xi32>
        %add3A_666 = arith.addi %broadcast_in_dim3A_271, %add3A_665 : vector<16xi32>
        %get3A_667 = arith.constant 0 : i32
        %get3A_668 = arith.index_cast %get3A_667 : i32 to index
        %get3A_669 = arith.index_cast %scan3A_664 : i32 to index
        %get3A_670 = arith.constant 0 : index
        %get3A_671 = tpu.vector_load %arg7[%get3A_668, %get3A_669, %get3A_670] {strides = array<i32>} : memref<2x128x64xf32, #tpu.memory_space<vmem>>, vector<16xf32>,
        tpu.vector_store_idx %arg8[%broadcast_in_dim3A_403, %select_n3A, %broadcast_in_dim3A_271, %sub3A_165, %add3A_666], %get3A_671 : memref<2x8x1x8x129xf32, #tpu.memory_space<vmem>>[vector<16xi32>, vector<16xi32>, vector<16xi32>, vector<16xi32>, vector<16xi32>], vector<16xf32>,
        %get3A_672 = arith.constant 0 : i32
        %get3A_673 = arith.index_cast %get3A_672 : i32 to index
        %get3A_674 = arith.index_cast %scan3A_664 : i32 to index
        %get3A_675 = arith.constant 16 : index
        %get3A_676 = tpu.vector_load %arg7[%get3A_673, %get3A_674, %get3A_675] {strides = array<i32>} : memref<2x128x64xf32, #tpu.memory_space<vmem>>, vector<16xf32>,
        tpu.vector_store_idx %arg8[%broadcast_in_dim3A_403, %select_n3A_68, %broadcast_in_dim3A_271, %sub3A_200, %add3A_666], %get3A_676 : memref<2x8x1x8x129xf32, #tpu.memory_space<vmem>>[vector<16xi32>, vector<16xi32>, vector<16xi32>, vector<16xi32>, vector<16xi32>], vector<16xf32>,
        %get3A_677 = arith.constant 0 : i32
        %get3A_678 = arith.index_cast %get3A_677 : i32 to index
        %get3A_679 = arith.index_cast %scan3A_664 : i32 to index
        %get3A_680 = arith.constant 32 : index
        %get3A_681 = tpu.vector_load %arg7[%get3A_678, %get3A_679, %get3A_680] {strides = array<i32>} : memref<2x128x64xf32, #tpu.memory_space<vmem>>, vector<16xf32>,
        tpu.vector_store_idx %arg8[%broadcast_in_dim3A_403, %select_n3A_99, %broadcast_in_dim3A_271, %sub3A_235, %add3A_666], %get3A_681 : memref<2x8x1x8x129xf32, #tpu.memory_space<vmem>>[vector<16xi32>, vector<16xi32>, vector<16xi32>, vector<16xi32>, vector<16xi32>], vector<16xf32>,
        %get3A_682 = arith.constant 0 : i32
        %get3A_683 = arith.index_cast %get3A_682 : i32 to index
        %get3A_684 = arith.index_cast %scan3A_664 : i32 to index
        %get3A_685 = arith.constant 48 : index
        %get3A_686 = tpu.vector_load %arg7[%get3A_683, %get3A_684, %get3A_685] {strides = array<i32>} : memref<2x128x64xf32, #tpu.memory_space<vmem>>, vector<16xf32>,
        tpu.vector_store_idx %arg8[%broadcast_in_dim3A_403, %select_n3A_130, %broadcast_in_dim3A_271, %sub3A_270, %add3A_666], %get3A_686 : memref<2x8x1x8x129xf32, #tpu.memory_space<vmem>>[vector<16xi32>, vector<16xi32>, vector<16xi32>, vector<16xi32>, vector<16xi32>], vector<16xf32>,
        %scan3A_687 = arith.constant 5 : i32
        %scan3A_688 = arith.addi %scan3A_569, %scan3A_687 : i32
        %add3A_689 = vector.broadcast %scan3A_688 : i32 to vector<16xi32>
        %add3A_690 = arith.addi %broadcast_in_dim3A_271, %add3A_689 : vector<16xi32>
        %get3A_691 = arith.constant 0 : i32
        %get3A_692 = arith.index_cast %get3A_691 : i32 to index
        %get3A_693 = arith.index_cast %scan3A_688 : i32 to index
        %get3A_694 = arith.constant 0 : index
        %get3A_695 = tpu.vector_load %arg7[%get3A_692, %get3A_693, %get3A_694] {strides = array<i32>} : memref<2x128x64xf32, #tpu.memory_space<vmem>>, vector<16xf32>,
        tpu.vector_store_idx %arg8[%broadcast_in_dim3A_403, %select_n3A, %broadcast_in_dim3A_271, %sub3A_165, %add3A_690], %get3A_695 : memref<2x8x1x8x129xf32, #tpu.memory_space<vmem>>[vector<16xi32>, vector<16xi32>, vector<16xi32>, vector<16xi32>, vector<16xi32>], vector<16xf32>,
        %get3A_696 = arith.constant 0 : i32
        %get3A_697 = arith.index_cast %get3A_696 : i32 to index
        %get3A_698 = arith.index_cast %scan3A_688 : i32 to index
        %get3A_699 = arith.constant 16 : index
        %get3A_700 = tpu.vector_load %arg7[%get3A_697, %get3A_698, %get3A_699] {strides = array<i32>} : memref<2x128x64xf32, #tpu.memory_space<vmem>>, vector<16xf32>,
        tpu.vector_store_idx %arg8[%broadcast_in_dim3A_403, %select_n3A_68, %broadcast_in_dim3A_271, %sub3A_200, %add3A_690], %get3A_700 : memref<2x8x1x8x129xf32, #tpu.memory_space<vmem>>[vector<16xi32>, vector<16xi32>, vector<16xi32>, vector<16xi32>, vector<16xi32>], vector<16xf32>,
        %get3A_701 = arith.constant 0 : i32
        %get3A_702 = arith.index_cast %get3A_701 : i32 to index
        %get3A_703 = arith.index_cast %scan3A_688 : i32 to index
        %get3A_704 = arith.constant 32 : index
        %get3A_705 = tpu.vector_load %arg7[%get3A_702, %get3A_703, %get3A_704] {strides = array<i32>} : memref<2x128x64xf32, #tpu.memory_space<vmem>>, vector<16xf32>,
        tpu.vector_store_idx %arg8[%broadcast_in_dim3A_403, %select_n3A_99, %broadcast_in_dim3A_271, %sub3A_235, %add3A_690], %get3A_705 : memref<2x8x1x8x129xf32, #tpu.memory_space<vmem>>[vector<16xi32>, vector<16xi32>, vector<16xi32>, vector<16xi32>, vector<16xi32>], vector<16xf32>,
        %get3A_706 = arith.constant 0 : i32
        %get3A_707 = arith.index_cast %get3A_706 : i32 to index
        %get3A_708 = arith.index_cast %scan3A_688 : i32 to index
        %get3A_709 = arith.constant 48 : index
        %get3A_710 = tpu.vector_load %arg7[%get3A_707, %get3A_708, %get3A_709] {strides = array<i32>} : memref<2x128x64xf32, #tpu.memory_space<vmem>>, vector<16xf32>,
        tpu.vector_store_idx %arg8[%broadcast_in_dim3A_403, %select_n3A_130, %broadcast_in_dim3A_271, %sub3A_270, %add3A_690], %get3A_710 : memref<2x8x1x8x129xf32, #tpu.memory_space<vmem>>[vector<16xi32>, vector<16xi32>, vector<16xi32>, vector<16xi32>, vector<16xi32>], vector<16xf32>,
        %scan3A_711 = arith.constant 6 : i32
        %scan3A_712 = arith.addi %scan3A_569, %scan3A_711 : i32
        %add3A_713 = vector.broadcast %scan3A_712 : i32 to vector<16xi32>
        %add3A_714 = arith.addi %broadcast_in_dim3A_271, %add3A_713 : vector<16xi32>
        %get3A_715 = arith.constant 0 : i32
        %get3A_716 = arith.index_cast %get3A_715 : i32 to index
        %get3A_717 = arith.index_cast %scan3A_712 : i32 to index
        %get3A_718 = arith.constant 0 : index
        %get3A_719 = tpu.vector_load %arg7[%get3A_716, %get3A_717, %get3A_718] {strides = array<i32>} : memref<2x128x64xf32, #tpu.memory_space<vmem>>, vector<16xf32>,
        tpu.vector_store_idx %arg8[%broadcast_in_dim3A_403, %select_n3A, %broadcast_in_dim3A_271, %sub3A_165, %add3A_714], %get3A_719 : memref<2x8x1x8x129xf32, #tpu.memory_space<vmem>>[vector<16xi32>, vector<16xi32>, vector<16xi32>, vector<16xi32>, vector<16xi32>], vector<16xf32>,
        %get3A_720 = arith.constant 0 : i32
        %get3A_721 = arith.index_cast %get3A_720 : i32 to index
        %get3A_722 = arith.index_cast %scan3A_712 : i32 to index
        %get3A_723 = arith.constant 16 : index
        %get3A_724 = tpu.vector_load %arg7[%get3A_721, %get3A_722, %get3A_723] {strides = array<i32>} : memref<2x128x64xf32, #tpu.memory_space<vmem>>, vector<16xf32>,
        tpu.vector_store_idx %arg8[%broadcast_in_dim3A_403, %select_n3A_68, %broadcast_in_dim3A_271, %sub3A_200, %add3A_714], %get3A_724 : memref<2x8x1x8x129xf32, #tpu.memory_space<vmem>>[vector<16xi32>, vector<16xi32>, vector<16xi32>, vector<16xi32>, vector<16xi32>], vector<16xf32>,
        %get3A_725 = arith.constant 0 : i32
        %get3A_726 = arith.index_cast %get3A_725 : i32 to index
        %get3A_727 = arith.index_cast %scan3A_712 : i32 to index
        %get3A_728 = arith.constant 32 : index
        %get3A_729 = tpu.vector_load %arg7[%get3A_726, %get3A_727, %get3A_728] {strides = array<i32>} : memref<2x128x64xf32, #tpu.memory_space<vmem>>, vector<16xf32>,
        tpu.vector_store_idx %arg8[%broadcast_in_dim3A_403, %select_n3A_99, %broadcast_in_dim3A_271, %sub3A_235, %add3A_714], %get3A_729 : memref<2x8x1x8x129xf32, #tpu.memory_space<vmem>>[vector<16xi32>, vector<16xi32>, vector<16xi32>, vector<16xi32>, vector<16xi32>], vector<16xf32>,
        %get3A_730 = arith.constant 0 : i32
        %get3A_731 = arith.index_cast %get3A_730 : i32 to index
        %get3A_732 = arith.index_cast %scan3A_712 : i32 to index
        %get3A_733 = arith.constant 48 : index
        %get3A_734 = tpu.vector_load %arg7[%get3A_731, %get3A_732, %get3A_733] {strides = array<i32>} : memref<2x128x64xf32, #tpu.memory_space<vmem>>, vector<16xf32>,
        tpu.vector_store_idx %arg8[%broadcast_in_dim3A_403, %select_n3A_130, %broadcast_in_dim3A_271, %sub3A_270, %add3A_714], %get3A_734 : memref<2x8x1x8x129xf32, #tpu.memory_space<vmem>>[vector<16xi32>, vector<16xi32>, vector<16xi32>, vector<16xi32>, vector<16xi32>], vector<16xf32>,
        %scan3A_735 = arith.constant 7 : i32
        %scan3A_736 = arith.addi %scan3A_569, %scan3A_735 : i32
        %add3A_737 = vector.broadcast %scan3A_736 : i32 to vector<16xi32>
        %add3A_738 = arith.addi %broadcast_in_dim3A_271, %add3A_737 : vector<16xi32>
        %get3A_739 = arith.constant 0 : i32
        %get3A_740 = arith.index_cast %get3A_739 : i32 to index
        %get3A_741 = arith.index_cast %scan3A_736 : i32 to index
        %get3A_742 = arith.constant 0 : index
        %get3A_743 = tpu.vector_load %arg7[%get3A_740, %get3A_741, %get3A_742] {strides = array<i32>} : memref<2x128x64xf32, #tpu.memory_space<vmem>>, vector<16xf32>,
        tpu.vector_store_idx %arg8[%broadcast_in_dim3A_403, %select_n3A, %broadcast_in_dim3A_271, %sub3A_165, %add3A_738], %get3A_743 : memref<2x8x1x8x129xf32, #tpu.memory_space<vmem>>[vector<16xi32>, vector<16xi32>, vector<16xi32>, vector<16xi32>, vector<16xi32>], vector<16xf32>,
        %get3A_744 = arith.constant 0 : i32
        %get3A_745 = arith.index_cast %get3A_744 : i32 to index
        %get3A_746 = arith.index_cast %scan3A_736 : i32 to index
        %get3A_747 = arith.constant 16 : index
        %get3A_748 = tpu.vector_load %arg7[%get3A_745, %get3A_746, %get3A_747] {strides = array<i32>} : memref<2x128x64xf32, #tpu.memory_space<vmem>>, vector<16xf32>,
        tpu.vector_store_idx %arg8[%broadcast_in_dim3A_403, %select_n3A_68, %broadcast_in_dim3A_271, %sub3A_200, %add3A_738], %get3A_748 : memref<2x8x1x8x129xf32, #tpu.memory_space<vmem>>[vector<16xi32>, vector<16xi32>, vector<16xi32>, vector<16xi32>, vector<16xi32>], vector<16xf32>,
        %get3A_749 = arith.constant 0 : i32
        %get3A_750 = arith.index_cast %get3A_749 : i32 to index
        %get3A_751 = arith.index_cast %scan3A_736 : i32 to index
        %get3A_752 = arith.constant 32 : index
        %get3A_753 = tpu.vector_load %arg7[%get3A_750, %get3A_751, %get3A_752] {strides = array<i32>} : memref<2x128x64xf32, #tpu.memory_space<vmem>>, vector<16xf32>,
        tpu.vector_store_idx %arg8[%broadcast_in_dim3A_403, %select_n3A_99, %broadcast_in_dim3A_271, %sub3A_235, %add3A_738], %get3A_753 : memref<2x8x1x8x129xf32, #tpu.memory_space<vmem>>[vector<16xi32>, vector<16xi32>, vector<16xi32>, vector<16xi32>, vector<16xi32>], vector<16xf32>,
        %get3A_754 = arith.constant 0 : i32
        %get3A_755 = arith.index_cast %get3A_754 : i32 to index
        %get3A_756 = arith.index_cast %scan3A_736 : i32 to index
        %get3A_757 = arith.constant 48 : index
        %get3A_758 = tpu.vector_load %arg7[%get3A_755, %get3A_756, %get3A_757] {strides = array<i32>} : memref<2x128x64xf32, #tpu.memory_space<vmem>>, vector<16xf32>,
        tpu.vector_store_idx %arg8[%broadcast_in_dim3A_403, %select_n3A_130, %broadcast_in_dim3A_271, %sub3A_270, %add3A_738], %get3A_758 : memref<2x8x1x8x129xf32, #tpu.memory_space<vmem>>[vector<16xi32>, vector<16xi32>, vector<16xi32>, vector<16xi32>, vector<16xi32>], vector<16xf32>,
      }
      %scan3A_409 = arith.constant 128 : i32
      %jit3A_410 = arith.constant 50 : i32
      %div3A_411 = arith.divsi %add3A_378, %jit3A_410 : i32
      %sign3A_412 = arith.constant 0 : i32
      %sign3A_413 = arith.cmpi sgt, %add3A_378, %sign3A_412 : i32
      %sign3A_414 = arith.extui %sign3A_413 : i1 to i32
      %sign3A_415 = arith.constant 0 : i32
      %sign3A_416 = arith.cmpi slt, %add3A_378, %sign3A_415 : i32
      %sign3A_417 = arith.extui %sign3A_416 : i1 to i32
      %sign3A_418 = arith.subi %sign3A_414, %sign3A_417 : i32
      %sign3A_419 = arith.constant 0 : i32
      %sign3A_420 = arith.cmpi sgt, %jit3A_410, %sign3A_419 : i32
      %sign3A_421 = arith.extui %sign3A_420 : i1 to i32
      %sign3A_422 = arith.constant 0 : i32
      %sign3A_423 = arith.cmpi slt, %jit3A_410, %sign3A_422 : i32
      %sign3A_424 = arith.extui %sign3A_423 : i1 to i32
      %sign3A_425 = arith.subi %sign3A_421, %sign3A_424 : i32
      %ne3A_426 = arith.cmpi ne, %sign3A_418, %sign3A_425 : i32
      %rem3A_427 = arith.remsi %add3A_378, %jit3A_410 : i32
      %ne3A_428 = arith.constant 0 : i32
      %ne3A_429 = arith.cmpi ne, %rem3A_427, %ne3A_428 : i32
      %and3A_430 = arith.andi %ne3A_426, %ne3A_429 : i1
      %sub3A_431 = arith.constant 1 : i32
      %sub3A_432 = arith.subi %div3A_411, %sub3A_431 : i32
      %select_n3A_433 = arith.select %and3A_430, %sub3A_432, %div3A_411 : i32
      %mul3A_434 = arith.constant 50 : i32
      %mul3A_435 = arith.muli %select_n3A_433, %mul3A_434 : i32
      %sub3A_436 = arith.subi %add3A_378, %mul3A_435 : i32
      %add3A_437 = arith.addi %mul3A_2, %select_n3A_433 : i32
      %dma_start3A_438 = arith.constant 0 : i32
      %dma_start3A_439 = arith.constant 0 : i32
      %dma_start3A_440 = arith.constant 0 : i32
      %dma_start3A_441 = arith.constant 0 : i32
      %dma_start3A_442 = arith.constant 0 : i32
      %dma_start3A_443 = tpu.memref_slice %arg8[%dma_start3A_438, %dma_start3A_439, %dma_start3A_440, %dma_start3A_441, %dma_start3A_442] : memref<2x8x1x8x129xf32, #tpu.memory_space<vmem>> -> memref<1x8x1x8x129xf32, #tpu.memory_space<vmem>>
      %dma_start3A_444 = tpu.memref_squeeze %dma_start3A_443 : memref<1x8x1x8x129xf32, #tpu.memory_space<vmem>> -> memref<8x1x8x129xf32, #tpu.memory_space<vmem>>
      %dma_start3A_445 = arith.constant 0 : i32
      %dma_start3A_446 = arith.constant 0 : i32
      %dma_start3A_447 = arith.constant 0 : i32
      %dma_start3A_448 = arith.constant 0 : i32
      %dma_start3A_449 = tpu.memref_slice %dma_start3A_444[%dma_start3A_445, %dma_start3A_446, %dma_start3A_447, %dma_start3A_448] : memref<8x1x8x129xf32, #tpu.memory_space<vmem>> -> memref<8x1x8x128xf32, #tpu.memory_space<vmem>>
      %dma_start3A_450 = arith.constant 0 : i32
      %dma_start3A_451 = arith.constant 0 : i32
      %dma_start3A_452 = arith.constant 0 : i32
      %dma_start3A_453 = tpu.memref_slice %arg4[%sub3A_436, %dma_start3A_450, %add3A_437, %dma_start3A_451, %dma_start3A_452] : memref<50x8x128x8x128xf32, #tpu.memory_space<hbm>> -> memref<1x8x1x8x128xf32, #tpu.memory_space<hbm>>
      %dma_start3A_454 = tpu.memref_squeeze %dma_start3A_453 : memref<1x8x1x8x128xf32, #tpu.memory_space<hbm>> -> memref<8x1x8x128xf32, #tpu.memory_space<hbm>>
      %dma_start3A_455 = arith.constant 0 : i32
      %dma_start3A_456 = arith.constant 0 : i32
      %dma_start3A_457 = arith.constant 0 : i32
      %dma_start3A_458 = tpu.memref_slice %arg4[%sub3A_436, %dma_start3A_455, %add3A_437, %dma_start3A_456, %dma_start3A_457] : memref<50x8x128x8x128xf32, #tpu.memory_space<hbm>> -> memref<1x8x1x8x128xf32, #tpu.memory_space<hbm>>
      %dma_start3A_459 = tpu.memref_squeeze %dma_start3A_458 : memref<1x8x1x8x128xf32, #tpu.memory_space<hbm>> -> memref<8x1x8x128xf32, #tpu.memory_space<hbm>>
      %dma_start3A_460 = arith.constant 0 : i32
      %dma_start3A_461 = arith.constant 0 : i32
      %dma_start3A_462 = arith.constant 0 : i32
      %dma_start3A_463 = arith.constant 0 : i32
      %dma_start3A_464 = tpu.memref_slice %arg8[%dma_start3A_438, %dma_start3A_460, %dma_start3A_461, %dma_start3A_462, %dma_start3A_463] : memref<2x8x1x8x129xf32, #tpu.memory_space<vmem>> -> memref<1x8x1x8x129xf32, #tpu.memory_space<vmem>>
      %dma_start3A_465 = tpu.memref_squeeze %dma_start3A_464 : memref<1x8x1x8x129xf32, #tpu.memory_space<vmem>> -> memref<8x1x8x129xf32, #tpu.memory_space<vmem>>
      %dma_start3A_466 = arith.constant 0 : i32
      %dma_start3A_467 = arith.constant 0 : i32
      %dma_start3A_468 = arith.constant 0 : i32
      %dma_start3A_469 = arith.constant 0 : i32
      %dma_start3A_470 = tpu.memref_slice %dma_start3A_465[%dma_start3A_466, %dma_start3A_467, %dma_start3A_468, %dma_start3A_469] : memref<8x1x8x129xf32, #tpu.memory_space<vmem>> -> memref<8x1x8x128xf32, #tpu.memory_space<vmem>>
      tpu.enqueue_dma source(%dma_start3A_470 : memref<8x1x8x128xf32, #tpu.memory_space<vmem>>) target(%dma_start3A_459 : memref<8x1x8x128xf32, #tpu.memory_space<hbm>>) target_semaphore(%arg11 : memref<!tpu.dma_semaphore, #tpu.memory_space<semaphore_mem>>)
      %add3A_471 = arith.constant 1 : i32
      %add3A_472 = arith.addi %add3A_376, %add3A_471 : i32
      %add3A_473 = arith.constant 1 : i32
      %add3A_474 = arith.addi %add3A_472, %add3A_473 : i32
      %lt3A_475 = arith.constant 200 : i32
      %lt3A_476 = arith.cmpi slt, %add3A_474, %lt3A_475 : i32
      %convert_element_type3A_477 = arith.extui %lt3A_476 : i1 to i32
      %cond3A_478 = arith.constant 0 : i32
      %cond3A_479 = arith.cmpi ne, %convert_element_type3A_477, %cond3A_478 : i32
      scf.if %cond3A_479 {
        %add3A_569 = arith.constant 1 : i32
        %add3A_570 = arith.addi %add3A_472, %add3A_569 : i32
        %jit3A_571 = arith.constant 50 : i32
        %div3A_572 = arith.divsi %add3A_570, %jit3A_571 : i32
        %sign3A_573 = arith.constant 0 : i32
        %sign3A_574 = arith.cmpi sgt, %add3A_570, %sign3A_573 : i32
        %sign3A_575 = arith.extui %sign3A_574 : i1 to i32
        %sign3A_576 = arith.constant 0 : i32
        %sign3A_577 = arith.cmpi slt, %add3A_570, %sign3A_576 : i32
        %sign3A_578 = arith.extui %sign3A_577 : i1 to i32
        %sign3A_579 = arith.subi %sign3A_575, %sign3A_578 : i32
        %sign3A_580 = arith.constant 0 : i32
        %sign3A_581 = arith.cmpi sgt, %jit3A_571, %sign3A_580 : i32
        %sign3A_582 = arith.extui %sign3A_581 : i1 to i32
        %sign3A_583 = arith.constant 0 : i32
        %sign3A_584 = arith.cmpi slt, %jit3A_571, %sign3A_583 : i32
        %sign3A_585 = arith.extui %sign3A_584 : i1 to i32
        %sign3A_586 = arith.subi %sign3A_582, %sign3A_585 : i32
        %ne3A_587 = arith.cmpi ne, %sign3A_579, %sign3A_586 : i32
        %rem3A_588 = arith.remsi %add3A_570, %jit3A_571 : i32
        %ne3A_589 = arith.constant 0 : i32
        %ne3A_590 = arith.cmpi ne, %rem3A_588, %ne3A_589 : i32
        %and3A_591 = arith.andi %ne3A_587, %ne3A_590 : i1
        %sub3A_592 = arith.constant 1 : i32
        %sub3A_593 = arith.subi %div3A_572, %sub3A_592 : i32
        %select_n3A_594 = arith.select %and3A_591, %sub3A_593, %div3A_572 : i32
        %mul3A_595 = arith.constant 50 : i32
        %mul3A_596 = arith.muli %select_n3A_594, %mul3A_595 : i32
        %sub3A_597 = arith.subi %add3A_570, %mul3A_596 : i32
        %mul3A_598 = arith.constant 128 : i32
        %mul3A_599 = arith.muli %select_n3A_594, %mul3A_598 : i32
        %multiple_of3A_600 = tpu.assume_multiple %mul3A_599, 128 : i32
        %dma_start3A_601 = arith.constant 0 : i32
        %dma_start3A_602 = arith.constant 0 : i32
        %dma_start3A_603 = arith.constant 0 : i32
        %dma_start3A_604 = tpu.memref_slice %arg7[%dma_start3A_601, %dma_start3A_602, %dma_start3A_603] : memref<2x128x64xf32, #tpu.memory_space<vmem>> -> memref<1x128x64xf32, #tpu.memory_space<vmem>>
        %dma_start3A_605 = tpu.memref_squeeze %dma_start3A_604 : memref<1x128x64xf32, #tpu.memory_space<vmem>> -> memref<128x64xf32, #tpu.memory_space<vmem>>
        %dma_start3A_606 = tpu.memref_slice %arg6[%sub3A_597, %multiple_of3A_600] : memref<50x512xi32, #tpu.memory_space<vmem>> -> memref<1x128xi32, #tpu.memory_space<vmem>>
        %dma_start3A_607 = tpu.memref_squeeze %dma_start3A_606 : memref<1x128xi32, #tpu.memory_space<vmem>> -> memref<128xi32, #tpu.memory_space<vmem>>
        %dma_start3A_608 = arith.constant 0 : i32
        %dma_start3A_609 = arith.constant 0 : i32
        %dma_start3A_610 = tpu.memref_slice %arg3[%dma_start3A_608, %dma_start3A_609] : memref<2000000x64xf32, #tpu.memory_space<hbm>> -> memref<2000000x64xf32, #tpu.memory_space<hbm>>
        tpu.enqueue_indirect_dma source(%dma_start3A_610 : memref<2000000x64xf32, #tpu.memory_space<hbm>>) target(%dma_start3A_605 : memref<128x64xf32, #tpu.memory_space<vmem>>) offsets(%dma_start3A_607 : memref<128xi32, #tpu.memory_space<vmem>>) semaphore(%arg9 : memref<!tpu.dma_semaphore, #tpu.memory_space<semaphore_mem>>)
      } else {
      }
      %dma_wait3A_480 = arith.constant 1 : i32
      %dma_wait3A_481 = arith.constant 0 : i32
      %dma_wait3A_482 = arith.constant 0 : i32
      %dma_wait3A_483 = tpu.memref_slice %arg7[%dma_wait3A_480, %dma_wait3A_481, %dma_wait3A_482] : memref<2x128x64xf32, #tpu.memory_space<vmem>> -> memref<1x128x64xf32, #tpu.memory_space<vmem>>
      %dma_wait3A_484 = tpu.memref_squeeze %dma_wait3A_483 : memref<1x128x64xf32, #tpu.memory_space<vmem>> -> memref<128x64xf32, #tpu.memory_space<vmem>>
      %dma_wait3A_485 = arith.constant 0 : i32
      %dma_wait3A_486 = arith.constant 0 : i32
      %dma_wait3A_487 = tpu.memref_slice %arg3[%dma_wait3A_485, %dma_wait3A_486] : memref<2000000x64xf32, #tpu.memory_space<hbm>> -> memref<128x64xf32, #tpu.memory_space<hbm>>
      %dma_wait3A_488 = arith.constant 0 : i32
      %dma_wait3A_489 = arith.constant 0 : i32
      %dma_wait3A_490 = tpu.memref_slice %arg7[%dma_wait3A_480, %dma_wait3A_488, %dma_wait3A_489] : memref<2x128x64xf32, #tpu.memory_space<vmem>> -> memref<1x128x64xf32, #tpu.memory_space<vmem>>
      %dma_wait3A_491 = tpu.memref_squeeze %dma_wait3A_490 : memref<1x128x64xf32, #tpu.memory_space<vmem>> -> memref<128x64xf32, #tpu.memory_space<vmem>>
      %dma_wait3A_492 = arith.constant 0 : i32
      %dma_wait3A_493 = arith.constant 0 : i32
      %dma_wait3A_494 = tpu.memref_slice %arg3[%dma_wait3A_492, %dma_wait3A_493] : memref<2000000x64xf32, #tpu.memory_space<hbm>> -> memref<128x64xf32, #tpu.memory_space<hbm>>
      tpu.wait_dma2 semaphore(%arg10 : memref<!tpu.dma_semaphore, #tpu.memory_space<semaphore_mem>>) src(%dma_wait3A_494 : memref<128x64xf32, #tpu.memory_space<hbm>>) dst(%dma_wait3A_491 : memref<128x64xf32, #tpu.memory_space<vmem>>)
      %ge3A_495 = arith.constant 1 : i32
      %ge3A_496 = arith.cmpi sge, %add3A_376, %ge3A_495 : i32
      %convert_element_type3A_497 = arith.extui %ge3A_496 : i1 to i32
      %cond3A_498 = arith.constant 0 : i32
      %cond3A_499 = arith.cmpi ne, %convert_element_type3A_497, %cond3A_498 : i32
      scf.if %cond3A_499 {
        %dma_wait3A_569 = arith.constant 1 : i32
        %dma_wait3A_570 = arith.constant 0 : i32
        %dma_wait3A_571 = arith.constant 0 : i32
        %dma_wait3A_572 = arith.constant 0 : i32
        %dma_wait3A_573 = arith.constant 0 : i32
        %dma_wait3A_574 = arith.constant 0 : i32
        %dma_wait3A_575 = tpu.memref_slice %arg8[%dma_wait3A_569, %dma_wait3A_571, %dma_wait3A_572, %dma_wait3A_573, %dma_wait3A_574] : memref<2x8x1x8x129xf32, #tpu.memory_space<vmem>> -> memref<1x8x1x8x129xf32, #tpu.memory_space<vmem>>
        %dma_wait3A_576 = tpu.memref_squeeze %dma_wait3A_575 : memref<1x8x1x8x129xf32, #tpu.memory_space<vmem>> -> memref<8x1x8x129xf32, #tpu.memory_space<vmem>>
        %dma_wait3A_577 = arith.constant 0 : i32
        %dma_wait3A_578 = arith.constant 0 : i32
        %dma_wait3A_579 = arith.constant 0 : i32
        %dma_wait3A_580 = arith.constant 0 : i32
        %dma_wait3A_581 = tpu.memref_slice %dma_wait3A_576[%dma_wait3A_577, %dma_wait3A_578, %dma_wait3A_579, %dma_wait3A_580] : memref<8x1x8x129xf32, #tpu.memory_space<vmem>> -> memref<8x1x8x128xf32, #tpu.memory_space<vmem>>
        %dma_wait3A_582 = arith.constant 0 : i32
        %dma_wait3A_583 = arith.constant 0 : i32
        %dma_wait3A_584 = arith.constant 0 : i32
        %dma_wait3A_585 = arith.constant 0 : i32
        %dma_wait3A_586 = tpu.memref_slice %arg4[%dma_wait3A_570, %dma_wait3A_582, %dma_wait3A_583, %dma_wait3A_584, %dma_wait3A_585] : memref<50x8x128x8x128xf32, #tpu.memory_space<hbm>> -> memref<1x8x1x8x128xf32, #tpu.memory_space<hbm>>
        %dma_wait3A_587 = tpu.memref_squeeze %dma_wait3A_586 : memref<1x8x1x8x128xf32, #tpu.memory_space<hbm>> -> memref<8x1x8x128xf32, #tpu.memory_space<hbm>>
        %dma_wait3A_588 = arith.constant 0 : i32
        %dma_wait3A_589 = arith.constant 0 : i32
        %dma_wait3A_590 = arith.constant 0 : i32
        %dma_wait3A_591 = arith.constant 0 : i32
        %dma_wait3A_592 = tpu.memref_slice %arg4[%dma_wait3A_570, %dma_wait3A_588, %dma_wait3A_589, %dma_wait3A_590, %dma_wait3A_591] : memref<50x8x128x8x128xf32, #tpu.memory_space<hbm>> -> memref<1x8x1x8x128xf32, #tpu.memory_space<hbm>>
        %dma_wait3A_593 = tpu.memref_squeeze %dma_wait3A_592 : memref<1x8x1x8x128xf32, #tpu.memory_space<hbm>> -> memref<8x1x8x128xf32, #tpu.memory_space<hbm>>
        %dma_wait3A_594 = arith.constant 0 : i32
        %dma_wait3A_595 = arith.constant 0 : i32
        %dma_wait3A_596 = arith.constant 0 : i32
        %dma_wait3A_597 = arith.constant 0 : i32
        %dma_wait3A_598 = tpu.memref_slice %arg8[%dma_wait3A_569, %dma_wait3A_594, %dma_wait3A_595, %dma_wait3A_596, %dma_wait3A_597] : memref<2x8x1x8x129xf32, #tpu.memory_space<vmem>> -> memref<1x8x1x8x129xf32, #tpu.memory_space<vmem>>
        %dma_wait3A_599 = tpu.memref_squeeze %dma_wait3A_598 : memref<1x8x1x8x129xf32, #tpu.memory_space<vmem>> -> memref<8x1x8x129xf32, #tpu.memory_space<vmem>>
        %dma_wait3A_600 = arith.constant 0 : i32
        %dma_wait3A_601 = arith.constant 0 : i32
        %dma_wait3A_602 = arith.constant 0 : i32
        %dma_wait3A_603 = arith.constant 0 : i32
        %dma_wait3A_604 = tpu.memref_slice %dma_wait3A_599[%dma_wait3A_600, %dma_wait3A_601, %dma_wait3A_602, %dma_wait3A_603] : memref<8x1x8x129xf32, #tpu.memory_space<vmem>> -> memref<8x1x8x128xf32, #tpu.memory_space<vmem>>
        tpu.wait_dma2 semaphore(%arg12 : memref<!tpu.dma_semaphore, #tpu.memory_space<semaphore_mem>>) src(%dma_wait3A_604 : memref<8x1x8x128xf32, #tpu.memory_space<vmem>>) dst(%dma_wait3A_593 : memref<8x1x8x128xf32, #tpu.memory_space<hbm>>)
      } else {
      }
      %broadcast_in_dim3A_500 = arith.constant 1 : i32
      %broadcast_in_dim3A_501 = vector.broadcast %broadcast_in_dim3A_500 : i32 to vector<16xi32>
      %scan3A_502 = arith.constant 0 : i32
      %scan3A_503 = arith.constant 0 : i32
      %scan3A_504 = arith.constant 128 : i32
      %scan3A_505 = arith.addi %scan3A_503, %scan3A_504 : i32
      %scan3A_506 = arith.constant 8 : i32
      scf.for %scan3A_569 = %scan3A_503 to %scan3A_505 step %scan3A_506  : i32 {
        %add3A_570 = vector.broadcast %scan3A_569 : i32 to vector<16xi32>
        %add3A_571 = arith.addi %broadcast_in_dim3A_271, %add3A_570 : vector<16xi32>
        %get3A = arith.constant 1 : i32
        %get3A_572 = arith.index_cast %get3A : i32 to index
        %get3A_573 = arith.index_cast %scan3A_569 : i32 to index
        %get3A_574 = arith.constant 0 : index
        %get3A_575 = tpu.vector_load %arg7[%get3A_572, %get3A_573, %get3A_574] {strides = array<i32>} : memref<2x128x64xf32, #tpu.memory_space<vmem>>, vector<16xf32>,
        tpu.vector_store_idx %arg8[%broadcast_in_dim3A_501, %select_n3A, %broadcast_in_dim3A_271, %sub3A_165, %add3A_571], %get3A_575 : memref<2x8x1x8x129xf32, #tpu.memory_space<vmem>>[vector<16xi32>, vector<16xi32>, vector<16xi32>, vector<16xi32>, vector<16xi32>], vector<16xf32>,
        %get3A_576 = arith.constant 1 : i32
        %get3A_577 = arith.index_cast %get3A_576 : i32 to index
        %get3A_578 = arith.index_cast %scan3A_569 : i32 to index
        %get3A_579 = arith.constant 16 : index
        %get3A_580 = tpu.vector_load %arg7[%get3A_577, %get3A_578, %get3A_579] {strides = array<i32>} : memref<2x128x64xf32, #tpu.memory_space<vmem>>, vector<16xf32>,
        tpu.vector_store_idx %arg8[%broadcast_in_dim3A_501, %select_n3A_68, %broadcast_in_dim3A_271, %sub3A_200, %add3A_571], %get3A_580 : memref<2x8x1x8x129xf32, #tpu.memory_space<vmem>>[vector<16xi32>, vector<16xi32>, vector<16xi32>, vector<16xi32>, vector<16xi32>], vector<16xf32>,
        %get3A_581 = arith.constant 1 : i32
        %get3A_582 = arith.index_cast %get3A_581 : i32 to index
        %get3A_583 = arith.index_cast %scan3A_569 : i32 to index
        %get3A_584 = arith.constant 32 : index
        %get3A_585 = tpu.vector_load %arg7[%get3A_582, %get3A_583, %get3A_584] {strides = array<i32>} : memref<2x128x64xf32, #tpu.memory_space<vmem>>, vector<16xf32>,
        tpu.vector_store_idx %arg8[%broadcast_in_dim3A_501, %select_n3A_99, %broadcast_in_dim3A_271, %sub3A_235, %add3A_571], %get3A_585 : memref<2x8x1x8x129xf32, #tpu.memory_space<vmem>>[vector<16xi32>, vector<16xi32>, vector<16xi32>, vector<16xi32>, vector<16xi32>], vector<16xf32>,
        %get3A_586 = arith.constant 1 : i32
        %get3A_587 = arith.index_cast %get3A_586 : i32 to index
        %get3A_588 = arith.index_cast %scan3A_569 : i32 to index
        %get3A_589 = arith.constant 48 : index
        %get3A_590 = tpu.vector_load %arg7[%get3A_587, %get3A_588, %get3A_589] {strides = array<i32>} : memref<2x128x64xf32, #tpu.memory_space<vmem>>, vector<16xf32>,
        tpu.vector_store_idx %arg8[%broadcast_in_dim3A_501, %select_n3A_130, %broadcast_in_dim3A_271, %sub3A_270, %add3A_571], %get3A_590 : memref<2x8x1x8x129xf32, #tpu.memory_space<vmem>>[vector<16xi32>, vector<16xi32>, vector<16xi32>, vector<16xi32>, vector<16xi32>], vector<16xf32>,
        %scan3A_591 = arith.constant 1 : i32
        %scan3A_592 = arith.addi %scan3A_569, %scan3A_591 : i32
        %add3A_593 = vector.broadcast %scan3A_592 : i32 to vector<16xi32>
        %add3A_594 = arith.addi %broadcast_in_dim3A_271, %add3A_593 : vector<16xi32>
        %get3A_595 = arith.constant 1 : i32
        %get3A_596 = arith.index_cast %get3A_595 : i32 to index
        %get3A_597 = arith.index_cast %scan3A_592 : i32 to index
        %get3A_598 = arith.constant 0 : index
        %get3A_599 = tpu.vector_load %arg7[%get3A_596, %get3A_597, %get3A_598] {strides = array<i32>} : memref<2x128x64xf32, #tpu.memory_space<vmem>>, vector<16xf32>,
        tpu.vector_store_idx %arg8[%broadcast_in_dim3A_501, %select_n3A, %broadcast_in_dim3A_271, %sub3A_165, %add3A_594], %get3A_599 : memref<2x8x1x8x129xf32, #tpu.memory_space<vmem>>[vector<16xi32>, vector<16xi32>, vector<16xi32>, vector<16xi32>, vector<16xi32>], vector<16xf32>,
        %get3A_600 = arith.constant 1 : i32
        %get3A_601 = arith.index_cast %get3A_600 : i32 to index
        %get3A_602 = arith.index_cast %scan3A_592 : i32 to index
        %get3A_603 = arith.constant 16 : index
        %get3A_604 = tpu.vector_load %arg7[%get3A_601, %get3A_602, %get3A_603] {strides = array<i32>} : memref<2x128x64xf32, #tpu.memory_space<vmem>>, vector<16xf32>,
        tpu.vector_store_idx %arg8[%broadcast_in_dim3A_501, %select_n3A_68, %broadcast_in_dim3A_271, %sub3A_200, %add3A_594], %get3A_604 : memref<2x8x1x8x129xf32, #tpu.memory_space<vmem>>[vector<16xi32>, vector<16xi32>, vector<16xi32>, vector<16xi32>, vector<16xi32>], vector<16xf32>,
        %get3A_605 = arith.constant 1 : i32
        %get3A_606 = arith.index_cast %get3A_605 : i32 to index
        %get3A_607 = arith.index_cast %scan3A_592 : i32 to index
        %get3A_608 = arith.constant 32 : index
        %get3A_609 = tpu.vector_load %arg7[%get3A_606, %get3A_607, %get3A_608] {strides = array<i32>} : memref<2x128x64xf32, #tpu.memory_space<vmem>>, vector<16xf32>,
        tpu.vector_store_idx %arg8[%broadcast_in_dim3A_501, %select_n3A_99, %broadcast_in_dim3A_271, %sub3A_235, %add3A_594], %get3A_609 : memref<2x8x1x8x129xf32, #tpu.memory_space<vmem>>[vector<16xi32>, vector<16xi32>, vector<16xi32>, vector<16xi32>, vector<16xi32>], vector<16xf32>,
        %get3A_610 = arith.constant 1 : i32
        %get3A_611 = arith.index_cast %get3A_610 : i32 to index
        %get3A_612 = arith.index_cast %scan3A_592 : i32 to index
        %get3A_613 = arith.constant 48 : index
        %get3A_614 = tpu.vector_load %arg7[%get3A_611, %get3A_612, %get3A_613] {strides = array<i32>} : memref<2x128x64xf32, #tpu.memory_space<vmem>>, vector<16xf32>,
        tpu.vector_store_idx %arg8[%broadcast_in_dim3A_501, %select_n3A_130, %broadcast_in_dim3A_271, %sub3A_270, %add3A_594], %get3A_614 : memref<2x8x1x8x129xf32, #tpu.memory_space<vmem>>[vector<16xi32>, vector<16xi32>, vector<16xi32>, vector<16xi32>, vector<16xi32>], vector<16xf32>,
        %scan3A_615 = arith.constant 2 : i32
        %scan3A_616 = arith.addi %scan3A_569, %scan3A_615 : i32
        %add3A_617 = vector.broadcast %scan3A_616 : i32 to vector<16xi32>
        %add3A_618 = arith.addi %broadcast_in_dim3A_271, %add3A_617 : vector<16xi32>
        %get3A_619 = arith.constant 1 : i32
        %get3A_620 = arith.index_cast %get3A_619 : i32 to index
        %get3A_621 = arith.index_cast %scan3A_616 : i32 to index
        %get3A_622 = arith.constant 0 : index
        %get3A_623 = tpu.vector_load %arg7[%get3A_620, %get3A_621, %get3A_622] {strides = array<i32>} : memref<2x128x64xf32, #tpu.memory_space<vmem>>, vector<16xf32>,
        tpu.vector_store_idx %arg8[%broadcast_in_dim3A_501, %select_n3A, %broadcast_in_dim3A_271, %sub3A_165, %add3A_618], %get3A_623 : memref<2x8x1x8x129xf32, #tpu.memory_space<vmem>>[vector<16xi32>, vector<16xi32>, vector<16xi32>, vector<16xi32>, vector<16xi32>], vector<16xf32>,
        %get3A_624 = arith.constant 1 : i32
        %get3A_625 = arith.index_cast %get3A_624 : i32 to index
        %get3A_626 = arith.index_cast %scan3A_616 : i32 to index
        %get3A_627 = arith.constant 16 : index
        %get3A_628 = tpu.vector_load %arg7[%get3A_625, %get3A_626, %get3A_627] {strides = array<i32>} : memref<2x128x64xf32, #tpu.memory_space<vmem>>, vector<16xf32>,
        tpu.vector_store_idx %arg8[%broadcast_in_dim3A_501, %select_n3A_68, %broadcast_in_dim3A_271, %sub3A_200, %add3A_618], %get3A_628 : memref<2x8x1x8x129xf32, #tpu.memory_space<vmem>>[vector<16xi32>, vector<16xi32>, vector<16xi32>, vector<16xi32>, vector<16xi32>], vector<16xf32>,
        %get3A_629 = arith.constant 1 : i32
        %get3A_630 = arith.index_cast %get3A_629 : i32 to index
        %get3A_631 = arith.index_cast %scan3A_616 : i32 to index
        %get3A_632 = arith.constant 32 : index
        %get3A_633 = tpu.vector_load %arg7[%get3A_630, %get3A_631, %get3A_632] {strides = array<i32>} : memref<2x128x64xf32, #tpu.memory_space<vmem>>, vector<16xf32>,
        tpu.vector_store_idx %arg8[%broadcast_in_dim3A_501, %select_n3A_99, %broadcast_in_dim3A_271, %sub3A_235, %add3A_618], %get3A_633 : memref<2x8x1x8x129xf32, #tpu.memory_space<vmem>>[vector<16xi32>, vector<16xi32>, vector<16xi32>, vector<16xi32>, vector<16xi32>], vector<16xf32>,
        %get3A_634 = arith.constant 1 : i32
        %get3A_635 = arith.index_cast %get3A_634 : i32 to index
        %get3A_636 = arith.index_cast %scan3A_616 : i32 to index
        %get3A_637 = arith.constant 48 : index
        %get3A_638 = tpu.vector_load %arg7[%get3A_635, %get3A_636, %get3A_637] {strides = array<i32>} : memref<2x128x64xf32, #tpu.memory_space<vmem>>, vector<16xf32>,
        tpu.vector_store_idx %arg8[%broadcast_in_dim3A_501, %select_n3A_130, %broadcast_in_dim3A_271, %sub3A_270, %add3A_618], %get3A_638 : memref<2x8x1x8x129xf32, #tpu.memory_space<vmem>>[vector<16xi32>, vector<16xi32>, vector<16xi32>, vector<16xi32>, vector<16xi32>], vector<16xf32>,
        %scan3A_639 = arith.constant 3 : i32
        %scan3A_640 = arith.addi %scan3A_569, %scan3A_639 : i32
        %add3A_641 = vector.broadcast %scan3A_640 : i32 to vector<16xi32>
        %add3A_642 = arith.addi %broadcast_in_dim3A_271, %add3A_641 : vector<16xi32>
        %get3A_643 = arith.constant 1 : i32
        %get3A_644 = arith.index_cast %get3A_643 : i32 to index
        %get3A_645 = arith.index_cast %scan3A_640 : i32 to index
        %get3A_646 = arith.constant 0 : index
        %get3A_647 = tpu.vector_load %arg7[%get3A_644, %get3A_645, %get3A_646] {strides = array<i32>} : memref<2x128x64xf32, #tpu.memory_space<vmem>>, vector<16xf32>,
        tpu.vector_store_idx %arg8[%broadcast_in_dim3A_501, %select_n3A, %broadcast_in_dim3A_271, %sub3A_165, %add3A_642], %get3A_647 : memref<2x8x1x8x129xf32, #tpu.memory_space<vmem>>[vector<16xi32>, vector<16xi32>, vector<16xi32>, vector<16xi32>, vector<16xi32>], vector<16xf32>,
        %get3A_648 = arith.constant 1 : i32
        %get3A_649 = arith.index_cast %get3A_648 : i32 to index
        %get3A_650 = arith.index_cast %scan3A_640 : i32 to index
        %get3A_651 = arith.constant 16 : index
        %get3A_652 = tpu.vector_load %arg7[%get3A_649, %get3A_650, %get3A_651] {strides = array<i32>} : memref<2x128x64xf32, #tpu.memory_space<vmem>>, vector<16xf32>,
        tpu.vector_store_idx %arg8[%broadcast_in_dim3A_501, %select_n3A_68, %broadcast_in_dim3A_271, %sub3A_200, %add3A_642], %get3A_652 : memref<2x8x1x8x129xf32, #tpu.memory_space<vmem>>[vector<16xi32>, vector<16xi32>, vector<16xi32>, vector<16xi32>, vector<16xi32>], vector<16xf32>,
        %get3A_653 = arith.constant 1 : i32
        %get3A_654 = arith.index_cast %get3A_653 : i32 to index
        %get3A_655 = arith.index_cast %scan3A_640 : i32 to index
        %get3A_656 = arith.constant 32 : index
        %get3A_657 = tpu.vector_load %arg7[%get3A_654, %get3A_655, %get3A_656] {strides = array<i32>} : memref<2x128x64xf32, #tpu.memory_space<vmem>>, vector<16xf32>,
        tpu.vector_store_idx %arg8[%broadcast_in_dim3A_501, %select_n3A_99, %broadcast_in_dim3A_271, %sub3A_235, %add3A_642], %get3A_657 : memref<2x8x1x8x129xf32, #tpu.memory_space<vmem>>[vector<16xi32>, vector<16xi32>, vector<16xi32>, vector<16xi32>, vector<16xi32>], vector<16xf32>,
        %get3A_658 = arith.constant 1 : i32
        %get3A_659 = arith.index_cast %get3A_658 : i32 to index
        %get3A_660 = arith.index_cast %scan3A_640 : i32 to index
        %get3A_661 = arith.constant 48 : index
        %get3A_662 = tpu.vector_load %arg7[%get3A_659, %get3A_660, %get3A_661] {strides = array<i32>} : memref<2x128x64xf32, #tpu.memory_space<vmem>>, vector<16xf32>,
        tpu.vector_store_idx %arg8[%broadcast_in_dim3A_501, %select_n3A_130, %broadcast_in_dim3A_271, %sub3A_270, %add3A_642], %get3A_662 : memref<2x8x1x8x129xf32, #tpu.memory_space<vmem>>[vector<16xi32>, vector<16xi32>, vector<16xi32>, vector<16xi32>, vector<16xi32>], vector<16xf32>,
        %scan3A_663 = arith.constant 4 : i32
        %scan3A_664 = arith.addi %scan3A_569, %scan3A_663 : i32
        %add3A_665 = vector.broadcast %scan3A_664 : i32 to vector<16xi32>
        %add3A_666 = arith.addi %broadcast_in_dim3A_271, %add3A_665 : vector<16xi32>
        %get3A_667 = arith.constant 1 : i32
        %get3A_668 = arith.index_cast %get3A_667 : i32 to index
        %get3A_669 = arith.index_cast %scan3A_664 : i32 to index
        %get3A_670 = arith.constant 0 : index
        %get3A_671 = tpu.vector_load %arg7[%get3A_668, %get3A_669, %get3A_670] {strides = array<i32>} : memref<2x128x64xf32, #tpu.memory_space<vmem>>, vector<16xf32>,
        tpu.vector_store_idx %arg8[%broadcast_in_dim3A_501, %select_n3A, %broadcast_in_dim3A_271, %sub3A_165, %add3A_666], %get3A_671 : memref<2x8x1x8x129xf32, #tpu.memory_space<vmem>>[vector<16xi32>, vector<16xi32>, vector<16xi32>, vector<16xi32>, vector<16xi32>], vector<16xf32>,
        %get3A_672 = arith.constant 1 : i32
        %get3A_673 = arith.index_cast %get3A_672 : i32 to index
        %get3A_674 = arith.index_cast %scan3A_664 : i32 to index
        %get3A_675 = arith.constant 16 : index
        %get3A_676 = tpu.vector_load %arg7[%get3A_673, %get3A_674, %get3A_675] {strides = array<i32>} : memref<2x128x64xf32, #tpu.memory_space<vmem>>, vector<16xf32>,
        tpu.vector_store_idx %arg8[%broadcast_in_dim3A_501, %select_n3A_68, %broadcast_in_dim3A_271, %sub3A_200, %add3A_666], %get3A_676 : memref<2x8x1x8x129xf32, #tpu.memory_space<vmem>>[vector<16xi32>, vector<16xi32>, vector<16xi32>, vector<16xi32>, vector<16xi32>], vector<16xf32>,
        %get3A_677 = arith.constant 1 : i32
        %get3A_678 = arith.index_cast %get3A_677 : i32 to index
        %get3A_679 = arith.index_cast %scan3A_664 : i32 to index
        %get3A_680 = arith.constant 32 : index
        %get3A_681 = tpu.vector_load %arg7[%get3A_678, %get3A_679, %get3A_680] {strides = array<i32>} : memref<2x128x64xf32, #tpu.memory_space<vmem>>, vector<16xf32>,
        tpu.vector_store_idx %arg8[%broadcast_in_dim3A_501, %select_n3A_99, %broadcast_in_dim3A_271, %sub3A_235, %add3A_666], %get3A_681 : memref<2x8x1x8x129xf32, #tpu.memory_space<vmem>>[vector<16xi32>, vector<16xi32>, vector<16xi32>, vector<16xi32>, vector<16xi32>], vector<16xf32>,
        %get3A_682 = arith.constant 1 : i32
        %get3A_683 = arith.index_cast %get3A_682 : i32 to index
        %get3A_684 = arith.index_cast %scan3A_664 : i32 to index
        %get3A_685 = arith.constant 48 : index
        %get3A_686 = tpu.vector_load %arg7[%get3A_683, %get3A_684, %get3A_685] {strides = array<i32>} : memref<2x128x64xf32, #tpu.memory_space<vmem>>, vector<16xf32>,
        tpu.vector_store_idx %arg8[%broadcast_in_dim3A_501, %select_n3A_130, %broadcast_in_dim3A_271, %sub3A_270, %add3A_666], %get3A_686 : memref<2x8x1x8x129xf32, #tpu.memory_space<vmem>>[vector<16xi32>, vector<16xi32>, vector<16xi32>, vector<16xi32>, vector<16xi32>], vector<16xf32>,
        %scan3A_687 = arith.constant 5 : i32
        %scan3A_688 = arith.addi %scan3A_569, %scan3A_687 : i32
        %add3A_689 = vector.broadcast %scan3A_688 : i32 to vector<16xi32>
        %add3A_690 = arith.addi %broadcast_in_dim3A_271, %add3A_689 : vector<16xi32>
        %get3A_691 = arith.constant 1 : i32
        %get3A_692 = arith.index_cast %get3A_691 : i32 to index
        %get3A_693 = arith.index_cast %scan3A_688 : i32 to index
        %get3A_694 = arith.constant 0 : index
        %get3A_695 = tpu.vector_load %arg7[%get3A_692, %get3A_693, %get3A_694] {strides = array<i32>} : memref<2x128x64xf32, #tpu.memory_space<vmem>>, vector<16xf32>,
        tpu.vector_store_idx %arg8[%broadcast_in_dim3A_501, %select_n3A, %broadcast_in_dim3A_271, %sub3A_165, %add3A_690], %get3A_695 : memref<2x8x1x8x129xf32, #tpu.memory_space<vmem>>[vector<16xi32>, vector<16xi32>, vector<16xi32>, vector<16xi32>, vector<16xi32>], vector<16xf32>,
        %get3A_696 = arith.constant 1 : i32
        %get3A_697 = arith.index_cast %get3A_696 : i32 to index
        %get3A_698 = arith.index_cast %scan3A_688 : i32 to index
        %get3A_699 = arith.constant 16 : index
        %get3A_700 = tpu.vector_load %arg7[%get3A_697, %get3A_698, %get3A_699] {strides = array<i32>} : memref<2x128x64xf32, #tpu.memory_space<vmem>>, vector<16xf32>,
        tpu.vector_store_idx %arg8[%broadcast_in_dim3A_501, %select_n3A_68, %broadcast_in_dim3A_271, %sub3A_200, %add3A_690], %get3A_700 : memref<2x8x1x8x129xf32, #tpu.memory_space<vmem>>[vector<16xi32>, vector<16xi32>, vector<16xi32>, vector<16xi32>, vector<16xi32>], vector<16xf32>,
        %get3A_701 = arith.constant 1 : i32
        %get3A_702 = arith.index_cast %get3A_701 : i32 to index
        %get3A_703 = arith.index_cast %scan3A_688 : i32 to index
        %get3A_704 = arith.constant 32 : index
        %get3A_705 = tpu.vector_load %arg7[%get3A_702, %get3A_703, %get3A_704] {strides = array<i32>} : memref<2x128x64xf32, #tpu.memory_space<vmem>>, vector<16xf32>,
        tpu.vector_store_idx %arg8[%broadcast_in_dim3A_501, %select_n3A_99, %broadcast_in_dim3A_271, %sub3A_235, %add3A_690], %get3A_705 : memref<2x8x1x8x129xf32, #tpu.memory_space<vmem>>[vector<16xi32>, vector<16xi32>, vector<16xi32>, vector<16xi32>, vector<16xi32>], vector<16xf32>,
        %get3A_706 = arith.constant 1 : i32
        %get3A_707 = arith.index_cast %get3A_706 : i32 to index
        %get3A_708 = arith.index_cast %scan3A_688 : i32 to index
        %get3A_709 = arith.constant 48 : index
        %get3A_710 = tpu.vector_load %arg7[%get3A_707, %get3A_708, %get3A_709] {strides = array<i32>} : memref<2x128x64xf32, #tpu.memory_space<vmem>>, vector<16xf32>,
        tpu.vector_store_idx %arg8[%broadcast_in_dim3A_501, %select_n3A_130, %broadcast_in_dim3A_271, %sub3A_270, %add3A_690], %get3A_710 : memref<2x8x1x8x129xf32, #tpu.memory_space<vmem>>[vector<16xi32>, vector<16xi32>, vector<16xi32>, vector<16xi32>, vector<16xi32>], vector<16xf32>,
        %scan3A_711 = arith.constant 6 : i32
        %scan3A_712 = arith.addi %scan3A_569, %scan3A_711 : i32
        %add3A_713 = vector.broadcast %scan3A_712 : i32 to vector<16xi32>
        %add3A_714 = arith.addi %broadcast_in_dim3A_271, %add3A_713 : vector<16xi32>
        %get3A_715 = arith.constant 1 : i32
        %get3A_716 = arith.index_cast %get3A_715 : i32 to index
        %get3A_717 = arith.index_cast %scan3A_712 : i32 to index
        %get3A_718 = arith.constant 0 : index
        %get3A_719 = tpu.vector_load %arg7[%get3A_716, %get3A_717, %get3A_718] {strides = array<i32>} : memref<2x128x64xf32, #tpu.memory_space<vmem>>, vector<16xf32>,
        tpu.vector_store_idx %arg8[%broadcast_in_dim3A_501, %select_n3A, %broadcast_in_dim3A_271, %sub3A_165, %add3A_714], %get3A_719 : memref<2x8x1x8x129xf32, #tpu.memory_space<vmem>>[vector<16xi32>, vector<16xi32>, vector<16xi32>, vector<16xi32>, vector<16xi32>], vector<16xf32>,
        %get3A_720 = arith.constant 1 : i32
        %get3A_721 = arith.index_cast %get3A_720 : i32 to index
        %get3A_722 = arith.index_cast %scan3A_712 : i32 to index
        %get3A_723 = arith.constant 16 : index
        %get3A_724 = tpu.vector_load %arg7[%get3A_721, %get3A_722, %get3A_723] {strides = array<i32>} : memref<2x128x64xf32, #tpu.memory_space<vmem>>, vector<16xf32>,
        tpu.vector_store_idx %arg8[%broadcast_in_dim3A_501, %select_n3A_68, %broadcast_in_dim3A_271, %sub3A_200, %add3A_714], %get3A_724 : memref<2x8x1x8x129xf32, #tpu.memory_space<vmem>>[vector<16xi32>, vector<16xi32>, vector<16xi32>, vector<16xi32>, vector<16xi32>], vector<16xf32>,
        %get3A_725 = arith.constant 1 : i32
        %get3A_726 = arith.index_cast %get3A_725 : i32 to index
        %get3A_727 = arith.index_cast %scan3A_712 : i32 to index
        %get3A_728 = arith.constant 32 : index
        %get3A_729 = tpu.vector_load %arg7[%get3A_726, %get3A_727, %get3A_728] {strides = array<i32>} : memref<2x128x64xf32, #tpu.memory_space<vmem>>, vector<16xf32>,
        tpu.vector_store_idx %arg8[%broadcast_in_dim3A_501, %select_n3A_99, %broadcast_in_dim3A_271, %sub3A_235, %add3A_714], %get3A_729 : memref<2x8x1x8x129xf32, #tpu.memory_space<vmem>>[vector<16xi32>, vector<16xi32>, vector<16xi32>, vector<16xi32>, vector<16xi32>], vector<16xf32>,
        %get3A_730 = arith.constant 1 : i32
        %get3A_731 = arith.index_cast %get3A_730 : i32 to index
        %get3A_732 = arith.index_cast %scan3A_712 : i32 to index
        %get3A_733 = arith.constant 48 : index
        %get3A_734 = tpu.vector_load %arg7[%get3A_731, %get3A_732, %get3A_733] {strides = array<i32>} : memref<2x128x64xf32, #tpu.memory_space<vmem>>, vector<16xf32>,
        tpu.vector_store_idx %arg8[%broadcast_in_dim3A_501, %select_n3A_130, %broadcast_in_dim3A_271, %sub3A_270, %add3A_714], %get3A_734 : memref<2x8x1x8x129xf32, #tpu.memory_space<vmem>>[vector<16xi32>, vector<16xi32>, vector<16xi32>, vector<16xi32>, vector<16xi32>], vector<16xf32>,
        %scan3A_735 = arith.constant 7 : i32
        %scan3A_736 = arith.addi %scan3A_569, %scan3A_735 : i32
        %add3A_737 = vector.broadcast %scan3A_736 : i32 to vector<16xi32>
        %add3A_738 = arith.addi %broadcast_in_dim3A_271, %add3A_737 : vector<16xi32>
        %get3A_739 = arith.constant 1 : i32
        %get3A_740 = arith.index_cast %get3A_739 : i32 to index
        %get3A_741 = arith.index_cast %scan3A_736 : i32 to index
        %get3A_742 = arith.constant 0 : index
        %get3A_743 = tpu.vector_load %arg7[%get3A_740, %get3A_741, %get3A_742] {strides = array<i32>} : memref<2x128x64xf32, #tpu.memory_space<vmem>>, vector<16xf32>,
        tpu.vector_store_idx %arg8[%broadcast_in_dim3A_501, %select_n3A, %broadcast_in_dim3A_271, %sub3A_165, %add3A_738], %get3A_743 : memref<2x8x1x8x129xf32, #tpu.memory_space<vmem>>[vector<16xi32>, vector<16xi32>, vector<16xi32>, vector<16xi32>, vector<16xi32>], vector<16xf32>,
        %get3A_744 = arith.constant 1 : i32
        %get3A_745 = arith.index_cast %get3A_744 : i32 to index
        %get3A_746 = arith.index_cast %scan3A_736 : i32 to index
        %get3A_747 = arith.constant 16 : index
        %get3A_748 = tpu.vector_load %arg7[%get3A_745, %get3A_746, %get3A_747] {strides = array<i32>} : memref<2x128x64xf32, #tpu.memory_space<vmem>>, vector<16xf32>,
        tpu.vector_store_idx %arg8[%broadcast_in_dim3A_501, %select_n3A_68, %broadcast_in_dim3A_271, %sub3A_200, %add3A_738], %get3A_748 : memref<2x8x1x8x129xf32, #tpu.memory_space<vmem>>[vector<16xi32>, vector<16xi32>, vector<16xi32>, vector<16xi32>, vector<16xi32>], vector<16xf32>,
        %get3A_749 = arith.constant 1 : i32
        %get3A_750 = arith.index_cast %get3A_749 : i32 to index
        %get3A_751 = arith.index_cast %scan3A_736 : i32 to index
        %get3A_752 = arith.constant 32 : index
        %get3A_753 = tpu.vector_load %arg7[%get3A_750, %get3A_751, %get3A_752] {strides = array<i32>} : memref<2x128x64xf32, #tpu.memory_space<vmem>>, vector<16xf32>,
        tpu.vector_store_idx %arg8[%broadcast_in_dim3A_501, %select_n3A_99, %broadcast_in_dim3A_271, %sub3A_235, %add3A_738], %get3A_753 : memref<2x8x1x8x129xf32, #tpu.memory_space<vmem>>[vector<16xi32>, vector<16xi32>, vector<16xi32>, vector<16xi32>, vector<16xi32>], vector<16xf32>,
        %get3A_754 = arith.constant 1 : i32
        %get3A_755 = arith.index_cast %get3A_754 : i32 to index
        %get3A_756 = arith.index_cast %scan3A_736 : i32 to index
        %get3A_757 = arith.constant 48 : index
        %get3A_758 = tpu.vector_load %arg7[%get3A_755, %get3A_756, %get3A_757] {strides = array<i32>} : memref<2x128x64xf32, #tpu.memory_space<vmem>>, vector<16xf32>,
        tpu.vector_store_idx %arg8[%broadcast_in_dim3A_501, %select_n3A_130, %broadcast_in_dim3A_271, %sub3A_270, %add3A_738], %get3A_758 : memref<2x8x1x8x129xf32, #tpu.memory_space<vmem>>[vector<16xi32>, vector<16xi32>, vector<16xi32>, vector<16xi32>, vector<16xi32>], vector<16xf32>,
      }
      %scan3A_507 = arith.constant 128 : i32
      %jit3A_508 = arith.constant 50 : i32
      %div3A_509 = arith.divsi %add3A_472, %jit3A_508 : i32
      %sign3A_510 = arith.constant 0 : i32
      %sign3A_511 = arith.cmpi sgt, %add3A_472, %sign3A_510 : i32
      %sign3A_512 = arith.extui %sign3A_511 : i1 to i32
      %sign3A_513 = arith.constant 0 : i32
      %sign3A_514 = arith.cmpi slt, %add3A_472, %sign3A_513 : i32
      %sign3A_515 = arith.extui %sign3A_514 : i1 to i32
      %sign3A_516 = arith.subi %sign3A_512, %sign3A_515 : i32
      %sign3A_517 = arith.constant 0 : i32
      %sign3A_518 = arith.cmpi sgt, %jit3A_508, %sign3A_517 : i32
      %sign3A_519 = arith.extui %sign3A_518 : i1 to i32
      %sign3A_520 = arith.constant 0 : i32
      %sign3A_521 = arith.cmpi slt, %jit3A_508, %sign3A_520 : i32
      %sign3A_522 = arith.extui %sign3A_521 : i1 to i32
      %sign3A_523 = arith.subi %sign3A_519, %sign3A_522 : i32
      %ne3A_524 = arith.cmpi ne, %sign3A_516, %sign3A_523 : i32
      %rem3A_525 = arith.remsi %add3A_472, %jit3A_508 : i32
      %ne3A_526 = arith.constant 0 : i32
      %ne3A_527 = arith.cmpi ne, %rem3A_525, %ne3A_526 : i32
      %and3A_528 = arith.andi %ne3A_524, %ne3A_527 : i1
      %sub3A_529 = arith.constant 1 : i32
      %sub3A_530 = arith.subi %div3A_509, %sub3A_529 : i32
      %select_n3A_531 = arith.select %and3A_528, %sub3A_530, %div3A_509 : i32
      %mul3A_532 = arith.constant 50 : i32
      %mul3A_533 = arith.muli %select_n3A_531, %mul3A_532 : i32
      %sub3A_534 = arith.subi %add3A_472, %mul3A_533 : i32
      %add3A_535 = arith.addi %mul3A_2, %select_n3A_531 : i32
      %dma_start3A_536 = arith.constant 1 : i32
      %dma_start3A_537 = arith.constant 0 : i32
      %dma_start3A_538 = arith.constant 0 : i32
      %dma_start3A_539 = arith.constant 0 : i32
      %dma_start3A_540 = arith.constant 0 : i32
      %dma_start3A_541 = tpu.memref_slice %arg8[%dma_start3A_536, %dma_start3A_537, %dma_start3A_538, %dma_start3A_539, %dma_start3A_540] : memref<2x8x1x8x129xf32, #tpu.memory_space<vmem>> -> memref<1x8x1x8x129xf32, #tpu.memory_space<vmem>>
      %dma_start3A_542 = tpu.memref_squeeze %dma_start3A_541 : memref<1x8x1x8x129xf32, #tpu.memory_space<vmem>> -> memref<8x1x8x129xf32, #tpu.memory_space<vmem>>
      %dma_start3A_543 = arith.constant 0 : i32
      %dma_start3A_544 = arith.constant 0 : i32
      %dma_start3A_545 = arith.constant 0 : i32
      %dma_start3A_546 = arith.constant 0 : i32
      %dma_start3A_547 = tpu.memref_slice %dma_start3A_542[%dma_start3A_543, %dma_start3A_544, %dma_start3A_545, %dma_start3A_546] : memref<8x1x8x129xf32, #tpu.memory_space<vmem>> -> memref<8x1x8x128xf32, #tpu.memory_space<vmem>>
      %dma_start3A_548 = arith.constant 0 : i32
      %dma_start3A_549 = arith.constant 0 : i32
      %dma_start3A_550 = arith.constant 0 : i32
      %dma_start3A_551 = tpu.memref_slice %arg4[%sub3A_534, %dma_start3A_548, %add3A_535, %dma_start3A_549, %dma_start3A_550] : memref<50x8x128x8x128xf32, #tpu.memory_space<hbm>> -> memref<1x8x1x8x128xf32, #tpu.memory_space<hbm>>
      %dma_start3A_552 = tpu.memref_squeeze %dma_start3A_551 : memref<1x8x1x8x128xf32, #tpu.memory_space<hbm>> -> memref<8x1x8x128xf32, #tpu.memory_space<hbm>>
      %dma_start3A_553 = arith.constant 0 : i32
      %dma_start3A_554 = arith.constant 0 : i32
      %dma_start3A_555 = arith.constant 0 : i32
      %dma_start3A_556 = tpu.memref_slice %arg4[%sub3A_534, %dma_start3A_553, %add3A_535, %dma_start3A_554, %dma_start3A_555] : memref<50x8x128x8x128xf32, #tpu.memory_space<hbm>> -> memref<1x8x1x8x128xf32, #tpu.memory_space<hbm>>
      %dma_start3A_557 = tpu.memref_squeeze %dma_start3A_556 : memref<1x8x1x8x128xf32, #tpu.memory_space<hbm>> -> memref<8x1x8x128xf32, #tpu.memory_space<hbm>>
      %dma_start3A_558 = arith.constant 0 : i32
      %dma_start3A_559 = arith.constant 0 : i32
      %dma_start3A_560 = arith.constant 0 : i32
      %dma_start3A_561 = arith.constant 0 : i32
      %dma_start3A_562 = tpu.memref_slice %arg8[%dma_start3A_536, %dma_start3A_558, %dma_start3A_559, %dma_start3A_560, %dma_start3A_561] : memref<2x8x1x8x129xf32, #tpu.memory_space<vmem>> -> memref<1x8x1x8x129xf32, #tpu.memory_space<vmem>>
      %dma_start3A_563 = tpu.memref_squeeze %dma_start3A_562 : memref<1x8x1x8x129xf32, #tpu.memory_space<vmem>> -> memref<8x1x8x129xf32, #tpu.memory_space<vmem>>
      %dma_start3A_564 = arith.constant 0 : i32
      %dma_start3A_565 = arith.constant 0 : i32
      %dma_start3A_566 = arith.constant 0 : i32
      %dma_start3A_567 = arith.constant 0 : i32
      %dma_start3A_568 = tpu.memref_slice %dma_start3A_563[%dma_start3A_564, %dma_start3A_565, %dma_start3A_566, %dma_start3A_567] : memref<8x1x8x129xf32, #tpu.memory_space<vmem>> -> memref<8x1x8x128xf32, #tpu.memory_space<vmem>>
      tpu.enqueue_dma source(%dma_start3A_568 : memref<8x1x8x128xf32, #tpu.memory_space<vmem>>) target(%dma_start3A_557 : memref<8x1x8x128xf32, #tpu.memory_space<hbm>>) target_semaphore(%arg12 : memref<!tpu.dma_semaphore, #tpu.memory_space<semaphore_mem>>)
    }
    %scan3A_300 = arith.constant 100 : i32
    %dma_wait3A = arith.constant 0 : i32
    %dma_wait3A_301 = arith.constant 0 : i32
    %dma_wait3A_302 = arith.constant 0 : i32
    %dma_wait3A_303 = arith.constant 0 : i32
    %dma_wait3A_304 = arith.constant 0 : i32
    %dma_wait3A_305 = arith.constant 0 : i32
    %dma_wait3A_306 = tpu.memref_slice %arg8[%dma_wait3A, %dma_wait3A_302, %dma_wait3A_303, %dma_wait3A_304, %dma_wait3A_305] : memref<2x8x1x8x129xf32, #tpu.memory_space<vmem>> -> memref<1x8x1x8x129xf32, #tpu.memory_space<vmem>>
    %dma_wait3A_307 = tpu.memref_squeeze %dma_wait3A_306 : memref<1x8x1x8x129xf32, #tpu.memory_space<vmem>> -> memref<8x1x8x129xf32, #tpu.memory_space<vmem>>
    %dma_wait3A_308 = arith.constant 0 : i32
    %dma_wait3A_309 = arith.constant 0 : i32
    %dma_wait3A_310 = arith.constant 0 : i32
    %dma_wait3A_311 = arith.constant 0 : i32
    %dma_wait3A_312 = tpu.memref_slice %dma_wait3A_307[%dma_wait3A_308, %dma_wait3A_309, %dma_wait3A_310, %dma_wait3A_311] : memref<8x1x8x129xf32, #tpu.memory_space<vmem>> -> memref<8x1x8x128xf32, #tpu.memory_space<vmem>>
    %dma_wait3A_313 = arith.constant 0 : i32
    %dma_wait3A_314 = arith.constant 0 : i32
    %dma_wait3A_315 = arith.constant 0 : i32
    %dma_wait3A_316 = arith.constant 0 : i32
    %dma_wait3A_317 = tpu.memref_slice %arg4[%dma_wait3A_301, %dma_wait3A_313, %dma_wait3A_314, %dma_wait3A_315, %dma_wait3A_316] : memref<50x8x128x8x128xf32, #tpu.memory_space<hbm>> -> memref<1x8x1x8x128xf32, #tpu.memory_space<hbm>>
    %dma_wait3A_318 = tpu.memref_squeeze %dma_wait3A_317 : memref<1x8x1x8x128xf32, #tpu.memory_space<hbm>> -> memref<8x1x8x128xf32, #tpu.memory_space<hbm>>
    %dma_wait3A_319 = arith.constant 0 : i32
    %dma_wait3A_320 = arith.constant 0 : i32
    %dma_wait3A_321 = arith.constant 0 : i32
    %dma_wait3A_322 = arith.constant 0 : i32
    %dma_wait3A_323 = tpu.memref_slice %arg4[%dma_wait3A_301, %dma_wait3A_319, %dma_wait3A_320, %dma_wait3A_321, %dma_wait3A_322] : memref<50x8x128x8x128xf32, #tpu.memory_space<hbm>> -> memref<1x8x1x8x128xf32, #tpu.memory_space<hbm>>
    %dma_wait3A_324 = tpu.memref_squeeze %dma_wait3A_323 : memref<1x8x1x8x128xf32, #tpu.memory_space<hbm>> -> memref<8x1x8x128xf32, #tpu.memory_space<hbm>>
    %dma_wait3A_325 = arith.constant 0 : i32
    %dma_wait3A_326 = arith.constant 0 : i32
    %dma_wait3A_327 = arith.constant 0 : i32
    %dma_wait3A_328 = arith.constant 0 : i32
    %dma_wait3A_329 = tpu.memref_slice %arg8[%dma_wait3A, %dma_wait3A_325, %dma_wait3A_326, %dma_wait3A_327, %dma_wait3A_328] : memref<2x8x1x8x129xf32, #tpu.memory_space<vmem>> -> memref<1x8x1x8x129xf32, #tpu.memory_space<vmem>>
    %dma_wait3A_330 = tpu.memref_squeeze %dma_wait3A_329 : memref<1x8x1x8x129xf32, #tpu.memory_space<vmem>> -> memref<8x1x8x129xf32, #tpu.memory_space<vmem>>
    %dma_wait3A_331 = arith.constant 0 : i32
    %dma_wait3A_332 = arith.constant 0 : i32
    %dma_wait3A_333 = arith.constant 0 : i32
    %dma_wait3A_334 = arith.constant 0 : i32
    %dma_wait3A_335 = tpu.memref_slice %dma_wait3A_330[%dma_wait3A_331, %dma_wait3A_332, %dma_wait3A_333, %dma_wait3A_334] : memref<8x1x8x129xf32, #tpu.memory_space<vmem>> -> memref<8x1x8x128xf32, #tpu.memory_space<vmem>>
    tpu.wait_dma2 semaphore(%arg11 : memref<!tpu.dma_semaphore, #tpu.memory_space<semaphore_mem>>) src(%dma_wait3A_335 : memref<8x1x8x128xf32, #tpu.memory_space<vmem>>) dst(%dma_wait3A_324 : memref<8x1x8x128xf32, #tpu.memory_space<hbm>>)
    %dma_wait3A_336 = arith.constant 1 : i32
    %dma_wait3A_337 = arith.constant 0 : i32
    %dma_wait3A_338 = arith.constant 0 : i32
    %dma_wait3A_339 = arith.constant 0 : i32
    %dma_wait3A_340 = arith.constant 0 : i32
    %dma_wait3A_341 = arith.constant 0 : i32
    %dma_wait3A_342 = tpu.memref_slice %arg8[%dma_wait3A_336, %dma_wait3A_338, %dma_wait3A_339, %dma_wait3A_340, %dma_wait3A_341] : memref<2x8x1x8x129xf32, #tpu.memory_space<vmem>> -> memref<1x8x1x8x129xf32, #tpu.memory_space<vmem>>
    %dma_wait3A_343 = tpu.memref_squeeze %dma_wait3A_342 : memref<1x8x1x8x129xf32, #tpu.memory_space<vmem>> -> memref<8x1x8x129xf32, #tpu.memory_space<vmem>>
    %dma_wait3A_344 = arith.constant 0 : i32
    %dma_wait3A_345 = arith.constant 0 : i32
    %dma_wait3A_346 = arith.constant 0 : i32
    %dma_wait3A_347 = arith.constant 0 : i32
    %dma_wait3A_348 = tpu.memref_slice %dma_wait3A_343[%dma_wait3A_344, %dma_wait3A_345, %dma_wait3A_346, %dma_wait3A_347] : memref<8x1x8x129xf32, #tpu.memory_space<vmem>> -> memref<8x1x8x128xf32, #tpu.memory_space<vmem>>
    %dma_wait3A_349 = arith.constant 0 : i32
    %dma_wait3A_350 = arith.constant 0 : i32
    %dma_wait3A_351 = arith.constant 0 : i32
    %dma_wait3A_352 = arith.constant 0 : i32
    %dma_wait3A_353 = tpu.memref_slice %arg4[%dma_wait3A_337, %dma_wait3A_349, %dma_wait3A_350, %dma_wait3A_351, %dma_wait3A_352] : memref<50x8x128x8x128xf32, #tpu.memory_space<hbm>> -> memref<1x8x1x8x128xf32, #tpu.memory_space<hbm>>
    %dma_wait3A_354 = tpu.memref_squeeze %dma_wait3A_353 : memref<1x8x1x8x128xf32, #tpu.memory_space<hbm>> -> memref<8x1x8x128xf32, #tpu.memory_space<hbm>>
    %dma_wait3A_355 = arith.constant 0 : i32
    %dma_wait3A_356 = arith.constant 0 : i32
    %dma_wait3A_357 = arith.constant 0 : i32
    %dma_wait3A_358 = arith.constant 0 : i32
    %dma_wait3A_359 = tpu.memref_slice %arg4[%dma_wait3A_337, %dma_wait3A_355, %dma_wait3A_356, %dma_wait3A_357, %dma_wait3A_358] : memref<50x8x128x8x128xf32, #tpu.memory_space<hbm>> -> memref<1x8x1x8x128xf32, #tpu.memory_space<hbm>>
    %dma_wait3A_360 = tpu.memref_squeeze %dma_wait3A_359 : memref<1x8x1x8x128xf32, #tpu.memory_space<hbm>> -> memref<8x1x8x128xf32, #tpu.memory_space<hbm>>
    %dma_wait3A_361 = arith.constant 0 : i32
    %dma_wait3A_362 = arith.constant 0 : i32
    %dma_wait3A_363 = arith.constant 0 : i32
    %dma_wait3A_364 = arith.constant 0 : i32
    %dma_wait3A_365 = tpu.memref_slice %arg8[%dma_wait3A_336, %dma_wait3A_361, %dma_wait3A_362, %dma_wait3A_363, %dma_wait3A_364] : memref<2x8x1x8x129xf32, #tpu.memory_space<vmem>> -> memref<1x8x1x8x129xf32, #tpu.memory_space<vmem>>
    %dma_wait3A_366 = tpu.memref_squeeze %dma_wait3A_365 : memref<1x8x1x8x129xf32, #tpu.memory_space<vmem>> -> memref<8x1x8x129xf32, #tpu.memory_space<vmem>>
    %dma_wait3A_367 = arith.constant 0 : i32
    %dma_wait3A_368 = arith.constant 0 : i32
    %dma_wait3A_369 = arith.constant 0 : i32
    %dma_wait3A_370 = arith.constant 0 : i32
    %dma_wait3A_371 = tpu.memref_slice %dma_wait3A_366[%dma_wait3A_367, %dma_wait3A_368, %dma_wait3A_369, %dma_wait3A_370] : memref<8x1x8x129xf32, #tpu.memory_space<vmem>> -> memref<8x1x8x128xf32, #tpu.memory_space<vmem>>
    tpu.wait_dma2 semaphore(%arg12 : memref<!tpu.dma_semaphore, #tpu.memory_space<semaphore_mem>>) src(%dma_wait3A_371 : memref<8x1x8x128xf32, #tpu.memory_space<vmem>>) dst(%dma_wait3A_360 : memref<8x1x8x128xf32, #tpu.memory_space<hbm>>)
    return
  }
}

module attributes {stable_mosaic.version = 14 : i64} {
  func.func @_tc_prep_body(%arg0: i32, %arg1: memref<64x2048xf32, #tpu.memory_space<vmem>>, %arg2: memref<2048x128xf32, #tpu.memory_space<vmem>>) attributes {dimension_semantics = [#tpu.dimension_semantics<arbitrary>], iteration_bounds = array<i64: 489>, scalar_prefetch = 0 : i64, scratch_operands = 0 : i64, tpu.core_type = #tpu.core_type<tc>, window_params = [{transform_indices = @transform_0, window_bounds = array<i64: 64, 2048>}, {transform_indices = @transform_1, window_bounds = array<i64: 2048, 128>}]} {
    %get3A = arith.constant 0 : index
    %get3A_0 = arith.constant 0 : index
    %get3A_1 = vector.load %arg1[%get3A, %get3A_0] : memref<64x2048xf32, #tpu.memory_space<vmem>>, vector<64x2048xf32>
    %transpose3A = tpu.transpose %get3A_1, [1, 0] : vector<64x2048xf32> -> vector<2048x64xf32>
    %swap3A = arith.constant 0 : index
    %swap3A_2 = arith.constant 0 : index
    %swap3A_3 = vector.load %arg2[%swap3A, %swap3A_2] : memref<2048x128xf32, #tpu.memory_space<vmem>>, vector<2048x64xf32>
    tpu.vector_store %arg2[%swap3A, %swap3A_2], %transpose3A {strides = array<i32>} : memref<2048x128xf32, #tpu.memory_space<vmem>>, vector<2048x64xf32>,
    %broadcast_in_dim3A = arith.constant 0.000000e+00 : f32
    %broadcast_in_dim3A_4 = vector.broadcast %broadcast_in_dim3A : f32 to vector<2048x64xf32>
    %swap3A_5 = arith.constant 0 : index
    %swap3A_6 = arith.constant 64 : index
    %swap3A_7 = vector.load %arg2[%swap3A_5, %swap3A_6] : memref<2048x128xf32, #tpu.memory_space<vmem>>, vector<2048x64xf32>
    tpu.vector_store %arg2[%swap3A_5, %swap3A_6], %broadcast_in_dim3A_4 {strides = array<i32>} : memref<2048x128xf32, #tpu.memory_space<vmem>>, vector<2048x64xf32>,
    return
  }
  func.func @transform_0(%arg0: i32) -> (i32, i32) {
    %c0_i32 = arith.constant 0 : i32
    %c0_i32_0 = arith.constant 0 : i32
    return %c0_i32, %arg0 : i32, i32
  }
  func.func @transform_1(%arg0: i32) -> (i32, i32) {
    %c0_i32 = arith.constant 0 : i32
    %c0_i32_0 = arith.constant 0 : i32
    return %arg0, %c0_i32 : i32, i32
  }
}

</mosaic_0001>

<sc_bundles>
// kernel: kernel.4.cloned.1.call-start
scs
__scs_entry_jumppad:
0x0: {  	(pc) =	sbr.rel $0x88, $3  }
0x1: {  	(tag) =	ssettag $0x0;
	lr =	simm.s32 $0x1  }
0x2: {  	[smem:$0x3F9F] =	sst lr;
	_ =	strace $0xD0000000  }
0x3: {  	_ = 	snop  }
0x4: {  	_ = 	snop  }
0x5: {  	_ = 	snop  }
0x6: {  	_ = 	snop  }
0x7: {  	_ = 	snop  }
__scs_overlays_trampoline_lowered:
0x8: {  	[smem:$0x3FAE] =	sst s0  }
0x9: {  	[smem:$0x3FAF] =	sst s1  }
0xa: {  	[smem:$0x3FB0] =	sst s2  }
0xb: {  	[smem:$0x3FB1] =	sst s3  }
0xc: {  	[smem:$0x3FB2] =	sst s4  }
0xd: {  	[smem:$0x3FB3] =	sst s5  }
0xe: {  	[smem:$0x3FB4] =	sst s6  }
0xf: {  	[smem:$0x3FB5] =	sst s7  }
0x10: {  	[smem:$0x3FB6] =	sst s8  }
0x11: {  	[smem:$0x3FB7] =	sst s9;
	s0 =	simm.s32 @!p0 $0x0  }
0x12: {  	s1 =	sld [smem:$0x3F9D];
	s0 =	simm.s32 @p0 $0x1  }
0x13: {  	[smem:$0x3FB8] =	sst s0;
	s0 =	simm.s32 @!p1 $0x0  }
0x14: {  	s2 =	sld [smem:$0x3F9C];
	s0 =	simm.s32 @p1 $0x1  }
0x15: {  	[smem:$0x3FB9] =	sst s0;
	s0 =	simm.s32 @!p2 $0x0  }
0x16: {  	s3 =	sld [smem:$0x3FDB];
	s0 =	simm.s32 @p2 $0x1  }
0x17: {  	s4 =	simm.s32 $0x1BF5;
	[smem:$0x3FBB] =	sst s0  }
0x18: {  	s0 =	sld [smem:$0x3F9E];
	_ =	swait.ge [sflag:s4], $0x0  }
0x19: {  	s7 =	sld [smem:$0x3F9F]  }
0x1a: {  	s8 =	sadd.s32 $0xFFFFE003, lr  }
0x1b: {  	s9 =	sadd.s32 $0xFFFFFEF7, lr;
	s5 =	simm.s32 $0xFFFFFFFF;
	p2 =	slt.u32 s8, $0xFFFFF086  }
0x1c: {  	p1 =	slt.u32 s9, $0xF7A;
	s5 =	simm.s32 @!p2 $0x0  }
0x1d: {  	s5 =	simm.s32 @p1 $0x1;
	p0 =	seq.s32 s7, s2  }
0x1e: {  	s7 =	smul.u32 @!p0 $0xF7A, s2;
	p2 =	seq.s32 @!p0 s5, $0x0  }
0x1f: {  	s9 =	smul.u32 $0xF7A, s1;
	s8 =	simm.s32 @!p0 $0x1BF5;
	p2 =	por !p2, p0  }
0x20: {  	[sflag:s8] =	ssyncset.s32 @!p0 $0xFFFFF086;
	s6 =	sadd.s32 @!p0 s3, s7;
	s7 =	simm.s32 @!p0 $0x108  }
0x21: {  	s3 =	sadd.s32 s3, s9;
	s6 =	sadd.s32 @!p0 $0x88, s6;
	s7 =	simm.s32 @p2 $0x1082  }
0x22: {  	[simem:s7], [sflag:s8] =	dma.local @!p0 [hbm:s6], $0xF7A  }
0x23: {  	s9 =	sor.u32 $0xD0000000, s2;
	s6 =	simm.s32 $0x108;
	_ =	swait.ge @!p0 [sflag:s8], $0x0  }
0x24: {  	s3 =	sadd.s32 $0x88, s3;
	s6 =	simm.s32 @!p1 $0x1082;
	[sflag:s4] =	ssyncset.s32 $0xFFFFF086  }
0x25: {  	[simem:s6], [sflag:s4] =	dma.local [hbm:s3], $0xF7A  }
0x26: {  	[smem:$0x3F9F] =	sst s1;
	(tag) =	ssettag s2;
	_ =	strace s9  }
0x27: {  	s1 =	sld [smem:$0x3FAF]  }
0x28: {  	s2 =	sld [smem:$0x3FB0]  }
0x29: {  	s4 =	sld [smem:$0x3FB2]  }
0x2a: {  	p0 =	seq.s32 s5, $0x0;
	s5 =	sld [smem:$0x3FB3]  }
0x2b: {  	s6 =	sld [smem:$0x3FB4]  }
0x2c: {  	s7 =	sld [smem:$0x3FB5]  }
0x2d: {  	s3 =	simm.s32 $0x108;
	s8 =	sld [smem:$0x3FB6]  }
0x2e: {  	s3 =	simm.s32 @!p0 $0x1082;
	s9 =	sld [smem:$0x3FB7]  }
0x2f: {  	lr =	sadd.s32 s0, s3;
	s0 =	sld [smem:$0x3FAE]  }
0x30: {  	s3 =	sld [smem:$0x3FB1]  }
0x31: {  	[smem:$0x3FBA] =	sst s10  }
0x32: {  	s10 =	sld [smem:$0x3FB8];
	_ =	sdelay $0x3  }
0x33: {  	p0 =	seq.s32 s10, $0x1;
	s10 =	sld [smem:$0x3FBA];
	_ =	sdelay $0x3  }
0x34: {  	[smem:$0x3FBA] =	sst s10  }
0x35: {  	s10 =	sld [smem:$0x3FB9];
	_ =	sdelay $0x3  }
0x36: {  	p1 =	seq.s32 s10, $0x1;
	s10 =	sld [smem:$0x3FBA];
	_ =	sdelay $0x3  }
0x37: {  	[smem:$0x3FBA] =	sst s10  }
0x38: {  	s10 =	sld [smem:$0x3FBB]  }
0x39: {  	_ = 	snop;
	(pc) =	sbr.ind lr, $3  }
0x3a: {  	_ = 	snop  }
0x3b: {  	_ = 	snop  }
0x3c: {  	p2 =	seq.s32 s10, $0x1;
	s10 =	sld [smem:$0x3FBA]  }
0x3d: {  	_ =	shalt  }
0x3e: {  	_ =	shalt  }
0x3f: {  	_ =	shalt  }
0x40: {  	_ =	shalt  }
0x41: {  	_ =	shalt  }
0x42: {  	_ =	shalt  }
0x43: {  	_ =	shalt  }
0x44: {  	_ =	shalt  }
0x45: {  	_ =	shalt  }
0x46: {  	_ =	shalt  }
0x47: {  	_ =	shalt  }
0x48: {  	_ =	shalt  }
0x49: {  	_ =	shalt  }
0x4a: {  	_ =	shalt  }
0x4b: {  	_ =	shalt  }
0x4c: {  	_ =	shalt  }
0x4d: {  	_ =	shalt  }
0x4e: {  	_ =	shalt  }
0x4f: {  	_ =	shalt  }
0x50: {  	_ =	shalt  }
0x51: {  	_ =	shalt  }
0x52: {  	_ =	shalt  }
0x53: {  	_ =	shalt  }
0x54: {  	_ =	shalt  }
0x55: {  	_ =	shalt  }
0x56: {  	_ =	shalt  }
0x57: {  	_ =	shalt  }
0x58: {  	_ =	shalt  }
0x59: {  	_ =	shalt  }
0x5a: {  	_ =	shalt  }
0x5b: {  	_ =	shalt  }
0x5c: {  	_ =	shalt  }
0x5d: {  	_ =	shalt  }
0x5e: {  	_ =	shalt  }
0x5f: {  	_ =	shalt  }
0x60: {  	_ =	shalt  }
0x61: {  	_ =	shalt  }
0x62: {  	_ =	shalt  }
0x63: {  	_ =	shalt  }
0x64: {  	_ =	shalt  }
0x65: {  	_ =	shalt  }
0x66: {  	_ =	shalt  }
0x67: {  	_ =	shalt  }
0x68: {  	_ =	shalt  }
0x69: {  	_ =	shalt  }
0x6a: {  	_ =	shalt  }
0x6b: {  	_ =	shalt  }
0x6c: {  	_ =	shalt  }
0x6d: {  	_ =	shalt  }
0x6e: {  	_ =	shalt  }
0x6f: {  	_ =	shalt  }
0x70: {  	_ =	shalt  }
0x71: {  	_ =	shalt  }
0x72: {  	_ =	shalt  }
0x73: {  	_ =	shalt  }
0x74: {  	_ =	shalt  }
0x75: {  	_ =	shalt  }
0x76: {  	_ =	shalt  }
0x77: {  	_ =	shalt  }
0x78: {  	_ =	shalt  }
0x79: {  	_ =	shalt  }
0x7a: {  	_ =	shalt  }
0x7b: {  	_ =	shalt  }
0x7c: {  	_ =	shalt  }
0x7d: {  	_ =	shalt  }
0x7e: {  	_ =	shalt  }
0x7f: {  	_ =	shalt  }
0x80: {  	_ =	shalt  }
0x81: {  	_ =	shalt  }
0x82: {  	_ =	shalt  }
0x83: {  	_ =	shalt  }
0x84: {  	_ =	shalt  }
0x85: {  	_ =	shalt  }
0x86: {  	_ =	shalt  }
0x87: {  	_ =	shalt  }
.Lfunc_end0:
.L_simem_size_0:
called_computation_lowered:
.L_overlay_start_0:
0x88: {  	s2 =	sld [smem:$0x3FD9]  }
0x89: {  	s3 =	sld [smem:$0x3FFE];
	_ =	sdelay $0x1  }
0x8a: {  	s1 =	srdreg.scid  }
0x8b: {  	s0 =	sand.u32 $0x1, s1  }
0x8c: {  	s17 =	sshll.u32 s0, $0xA;
	s2 =	sadd.s32 s3, s2  }
0x8d: {  	s2 =	sadd.s32 s2, s17  }
0x8e: {  	[smem:$0x3FC6] =	sst s2  }
0x8f: {  	_ = 	snop  }
0x90: {  	s2 =	sld [smem:$0x3FD0];
	(tm) =	ssettm $0x1  }
0x91: {  	s18 =	sld [smem:$0x3FFB];
	_ =	sdelay $0x3  }
0x92: {  	_ =	strace s18  }
0x93: {  	s3 =	sld [smem:$0x3FFC];
	_ =	sdelay $0x3  }
0x94: {  	_ =	strace s3  }
0x95: {  	s3 =	sld [smem:$0x3FFD];
	_ =	sdelay $0x3  }
0x96: {  	_ =	strace s3  }
0x97: {  	_ =	strace $0x8FFFFFFF  }
0x98: {  	s19 =	sld [smem:$0x3FDB];
	_ =	sdelay $0x1  }
0x99: {  	s4 =	simm.s32 $_scs_section_size  }
0x9a: {  	s5 =	simm.s32 $_size__tile_overlayer_lowered;
	s6 =	simm.s32 $_tile_overlayer_lowered  }
0x9b: {  	s22 =	simm.s32 $0x1BFF;
	s21 =	sshll.u32 s6, $0x1;
	s3 =	sadd.s32 s4, s19  }
0x9c: {  	s7 =	simm.s32 $0x0;
	s20 =	sshll.u32 s5, $0x1;
	s5 =	sadd.s32 s21, s3  }
0x9d: {  	[timem:s7], [sflag:s22] =	dma.local [hbm:s5], s20  }
0x9e: {  	_ =	swait.ge [sflag:s22], s20  }
0x9f: {  	s4 =	ssub.s32 $0x0, s20;
	[sflag:s22] =	ssyncset.done $0x0  }
0xa0: {  	[sflag:s22] =	ssyncadd.s32 s4;
	_ =	sdelay $0x1  }
0xa1: {  	s23 =	simm.s32 $0x1B8B  }
0xa2: {  	_ =	swait.ge [sflag:s23], $0x1  }
0xa3: {  	[sflag:s23] =	ssyncset.done $0x0  }
0xa4: {  	s25 =	simm.s32 $0x1B8E;
	s24 =	sld [smem:$0x3FFE];
	[sflag:s23] =	ssyncadd.s32 $0xFFFFFFFF  }
0xa5: {  	s26 =	simm.s32 $execute0_lowered;
	[smem:$0x3FD2] =	sst s25  }
0xa6: {  	s5 =	sshll.u32 s26, $0x1;
	_ =	strace $0x80000046;
	[dreg:$0x1] =	wrdreg $0xFFFFFFFF  }
0xa7: {  	s28 =	simm.s32 $_size_execute0_lowered;
	s3 =	sadd.s32 s3, s5;
	[dreg:$0x0] =	wrdreg $0x0  }
0xa8: {  	s5 =	sshll.u32 s28, $0x1;
	[dreg:$0x2] =	wrdreg s3  }
0xa9: {  	[dreg:$0x3] =	wrdreg s5  }
0xaa: {  	[dreg:$0x4] =	wrdreg $0xC0  }
0xab: {  	_ =	task [dreg:s7], $0x5FFFF  }
0xac: {  	[dreg:$0x1] =	wrdreg $0xFFFFFFFF  }
0xad: {  	[dreg:$0x0] =	wrdreg $0x60  }
0xae: {  	[dreg:$0x2] =	wrdreg s24  }
0xaf: {  	[dreg:$0x3] =	wrdreg s2  }
0xb0: {  	[dreg:$0x4] =	wrdreg $0x9  }
0xb1: {  	_ =	task.clear_ibuf [dreg:s7], $0x5FFFF;
	_ =	strace $0x90000046  }
0xb2: {  	s29 =	simm.s32 $0x9;
	_ =	strace $0x80000048  }
0xb3: {  	_ =	swait.ge [sflag:s29], $0x1  }
0xb4: {  	[sflag:s29] =	ssyncadd.s32 $0xFFFFFFFF  }
0xb5: {  	_ =	strace $0x90000048  }
0xb6: {  	_ =	sfence  }
0xb7: {  	s30 =	sld [smem:$0x0];
	_ =	sdelay $0x2  }
0xb8: {  	s31 =	sshll.u32 s1, $0xD;
	s1 =	sshrl.u32 s1, $0x2  }
0xb9: {  	s3 =	sand.u32 $0x4000, s31;
	s1 =	sadd.s32 s1, s30  }
0xba: {  	s0 =	sor.u32 s3, s0;
	s1 =	sshll.u32 s1, $0x11  }
0xbb: {  	s0 =	sor.u32 s1, s0  }
0xbc: {  	s0 =	sadd.s32 $0x8F2B, s0  }
0xbd: {  	[sflag:s0] =	ssyncadd.remote.s32 $0x1  }
0xbe: {  	_ =	sfence.sel $0xFFFF  }
0xbf: {  	[dreg:$0x0] =	wrdreg $0xFFFFFFFF;
	(pc) =	sbr.abs _section_cstart, $3  }
0xc0: {  	[dreg:$0x1] =	wrdreg $0xFFFFFFFF  }
0xc1: {  	_ =	task.clear_ibuf [dreg:s7], $0x2FFFF;
	_ =	strace $0x9FFFFFFF  }
0xc2: {  	(tm) =	ssettm $0x7FFFFFFF  }
0xc3: {  	_ =	shalt  }
tec
execute0_lowered:
.L_overlay_start_1:
0x0: {  	(tag) =	ssettag $0x1  }
0x1: {  	v0 =	vlaneseq.u32  }
0x2: {  	v5 =	vmul.u32 $0x88, v0  }
0x3: {  	v1 =	vimm.s32 $0x0;
	vm0 =	vcmask $0x300  }
0x4: {  	v4 =	vmul.u32 $0x32, v0;
	v2 =	vsel vm0, $0x3, v1;
	v0 =	vadd.s32 $0x880, v5  }
0x5: {  	v6 =	vadd.s32 $0x1980, v5;
	v8 =	vadd.s32 $0x881, v5;
	[tilespmem:$0x1FEC0] =	vst v0;
	v0 =	vadd.s32 $0x1100, v5  }
0x6: {  	v11 =	vadd.s32 $0x1981, v5;
	v13 =	vadd.s32 $0x882, v5;
	[tilespmem:$0x1FED0] =	vst v0;
	v0 =	vor.u32 $0x1, v5  }
0x7: {  	v15 =	vadd.s32 $0x1982, v5;
	v17 =	vadd.s32 $0x883, v5;
	[tilespmem:$0x1FEE0] =	vst v0;
	v0 =	vadd.s32 $0x1101, v5  }
0x8: {  	v19 =	vadd.s32 $0x1983, v5;
	v21 =	vadd.s32 $0x884, v5;
	[tilespmem:$0x1FEF0] =	vst v0;
	v0 =	vor.u32 $0x2, v5  }
0x9: {  	v23 =	vadd.s32 $0x1984, v5;
	v25 =	vadd.s32 $0x885, v5;
	[tilespmem:$0x1FF00] =	vst v0;
	v0 =	vadd.s32 $0x1102, v5  }
0xa: {  	v27 =	vadd.s32 $0x1985, v5;
	v29 =	vadd.s32 $0x886, v5;
	[tilespmem:$0x1FF10] =	vst v0;
	v0 =	vor.u32 $0x3, v5  }
0xb: {  	v31 =	vadd.s32 $0x1986, v5;
	v33 =	vadd.s32 $0x887, v5;
	[tilespmem:$0x1FF20] =	vst v0;
	v0 =	vadd.s32 $0x1103, v5  }
0xc: {  	v35 =	vadd.s32 $0x1987, v5;
	v7 =	vadd.s32 $0x2200, v5;
	[tilespmem:$0x1FF30] =	vst v0;
	v0 =	vor.u32 $0x4, v5  }
0xd: {  	v9 =	vadd.s32 $0x2A80, v5;
	v36 =	vadd.s32 $0x3300, v5;
	[tilespmem:$0x1FF40] =	vst v0;
	v0 =	vadd.s32 $0x1104, v5  }
0xe: {  	s4 =	rddreg [dreg:$0x0];
	s1 =	srdreg.scid;
	v37 =	vadd.s32 $0x3B80, v5;
	v38 =	vadd.s32 $0x2201, v5;
	[tilespmem:$0x1FF50] =	vst v0;
	v0 =	vor.u32 $0x5, v5  }
0xf: {  	s0 =	stileid.u32;
	s2 =	rddreg [dreg:$0x1];
	v39 =	vadd.s32 $0x2A81, v5;
	v40 =	vadd.s32 $0x3301, v5;
	[tilespmem:$0x1FF60] =	vst v0;
	v0 =	vadd.s32 $0x1105, v5  }
0x10: {  	s3 =	simm.s32 $0x0;
	s9 =	simm.s32 $0x80;
	s10 =	simm.s32 $0x6400;
	v41 =	vadd.s32 $0x3B81, v5;
	v42 =	vadd.s32 $0x2202, v5;
	[tilespmem:$0x1FF70] =	vst v0;
	v0 =	vor.u32 $0x6, v5  }
0x11: {  	s11 =	simm.s32 $0xC800;
	s12 =	simm.s32 $0xE800;
	s13 =	simm.s32 $0x1;
	v43 =	vadd.s32 $0x2A82, v5;
	v44 =	vadd.s32 $0x3302, v5;
	[tilespmem:$0x1FF80] =	vst v0;
	v0 =	vadd.s32 $0x1106, v5  }
0x12: {  	s14 =	simm.s32 $0x10800;
	s5 =	sand.u32 $0x1, s1;
	s6 =	sshll.u32 s0, $0x1;
	v45 =	vadd.s32 $0x3B82, v5;
	v46 =	vadd.s32 $0x2203, v5;
	[tilespmem:$0x1FF90] =	vst v0;
	v0 =	vor.u32 $0x7, v5  }
0x13: {  	s15 =	simm.s32 $0x2;
	s16 =	simm.s32 $0x4;
	s6 =	sor.u32 s5, s6;
	v47 =	vadd.s32 $0x2A83, v5;
	v48 =	vadd.s32 $0x3303, v5;
	[tilespmem:$0x1FFA0] =	vst v0;
	v0 =	vadd.s32 $0x1107, v5  }
0x14: {  	s17 =	simm.s32 $0x3;
	[smem:$0x7FF] =	sst s3;
	s7 =	smul.u32 $0xC80, s6;
	v49 =	vadd.s32 $0x3B83, v5;
	v50 =	vadd.s32 $0x2204, v5;
	v51 =	vadd.s32 $0x2A84, v5;
	[tilespmem:$0x1FFB0] =	vst v0  }
0x15: {  	s1 =	rddreg [dreg:$0x2];
	s5 =	ssub.s32 $0x2, s5;
	v52 =	vadd.s32 $0x3304, v5;
	v53 =	vadd.s32 $0x3B84, v5;
	v54 =	vadd.s32 $0x2205, v5;
	_ =	strace $0x80000047;
	[tilespmem:$0x1FFC0] =	vst v4  }
0x16: {  	s18 =	simm.s32 $0x0;
	s8 =	sshrl.u32 s5, $0x1;
	s6 =	sshll.u32 s6, $0xC;
	v55 =	vadd.s32 $0x2A85, v5;
	v56 =	vadd.s32 $0x3305, v5;
	v57 =	vadd.s32 $0x3B85, v5;
	[tilespmem:$0x1FFD0] =	vst v5  }
0x17: {  	v58 =	vadd.s32 $0x2206, v5;
	v59 =	vadd.s32 $0x2A86, v5;
	v60 =	vadd.s32 $0x3306, v5;
	s8 =	ssub.s32 s5, s8;
	s7 =	sadd.s32 s7, s4;
	s4 =	sadd.s32 $0x19400, s4;
	[tilespmem:$0x1FFE0] =	vst v7  }
0x18: {  	v61 =	vadd.s32 $0x3B86, v5;
	v62 =	vadd.s32 $0x2207, v5;
	v63 =	vadd.s32 $0x2A87, v5;
	s5 =	sadd.s32 $0x400, s7;
	s7 =	smax.u32 s8, $0x1;
	s8 =	simm.s32 $0x5;
	[tilespmem:$0x1FFF0] =	vst v9  }
.LBB2_1:
0x19: {  	[tilespmem:s3], [sflag:$0x5] =	stream.linear.gather [hbm4b:s5+s3], $0x6400, $0x38;
	[tilespmem:$0x14C00] =	vst v63  }
0x1a: {  	_ =	swait.ge [sflag:s8], $0x6400  }
0x1b: {  	[sflag:s8] =	ssyncset.done $0x0  }
0x1c: {  	s19 =	simm.s32 $0x6400;
	s20 =	simm.s32 $0x0;
	[sflag:s8] =	ssyncadd.s32 $0xFFFF9C00  }
.LBB2_2:
0x1d: {  	v1 =	vadd.s32 s20, v4;
	_ =	sdelay $0x4  }
0x1e: {  	v3 =	vld.idx.msk [tilespmem:v1+s3+$0x0], $0xffff  }
0x1f: {  	s23 =	sadd.s32 $0x320, s20;
	v0 =	vmov s19  }
0x20: {  	s22 =	simm.s32 $0x0;
	s21 =	simm.s32 $0x40;
	s24 =	simm.s32 $0x80;
	v1 =	vadd.s32 s23, v4  }
.LBB2_3:
0x21: {  	p0 =	sne.s32 s24, $0x7C0;
	_ =	sdelay $0x1  }
0x22: {  	s25 =	sshra.s32 s22, $0x2;
	s22 =	smov.u32 s21;
	s21 =	smov.u32 s24;
	v3 =	vshll.u32 v3, $0x1  }
.Ltmp0:
0x23: {  	[tilespmem:v0+s25+$0x0 ss:$0x1] =	vst.idx.msk $0xffff, v3;
	(pc) =	sbr.rel @p0 .LBB2_3-.Ltmp0, $3  }
0x24: {  	v3 =	vld.idx.msk [tilespmem:v1+s3+$0x0], $0xffff;
	_ =	sdelay $0x1  }
0x25: {  	s23 =	sadd.s32 $0x320, s23  }
0x26: {  	s24 =	sadd.s32 $0x40, s24;
	v1 =	vadd.s32 s23, v4  }
0x27: {  	_ =	sdelay $0x2  }
0x28: {  	s22 =	sshra.s32 s22, $0x2;
	v3 =	vshll.u32 v3, $0x1  }
0x29: {  	[tilespmem:v0+s22+$0x0 ss:$0x1] =	vst.idx.msk $0xffff, v3  }
0x2a: {  	s20 =	sadd.s32 $0x1, s20;
	v1 =	vld.idx.msk [tilespmem:v1+s3+$0x0], $0xffff  }
0x2b: {  	p0 =	sne.s32 s20, $0x32  }
.Ltmp1:
0x2c: {  	_ = 	snop;
	(pc) =	sbr.rel @p0 .LBB2_2-.Ltmp1, $3  }
0x2d: {  	_ =	sdelay $0x1  }
0x2e: {  	s21 =	sshra.s32 s21, $0x2;
	v1 =	vshll.u32 v1, $0x1  }
0x2f: {  	s19 =	sadd.s32 $0x200, s19;
	[tilespmem:v0+s21+$0x0 ss:$0x1] =	vst.idx.msk $0xffff, v1  }
0x30: {  	[tilespmem:s11], [sflag:$0x1] =	stream.indirect.gather [hbm4b:s4+s9], $0x40, s10, s9, $0xb8;
	[tilespmem:$0x14C00] =	vst v63  }
0x31: {  	s19 =	simm.s32 $0x0;
	s20 =	simm.s32 $0x0  }
.LBB2_6:
0x32: {  	s21 =	smul.u32 $0x29, s20;
	_ =	sdelay $0x1  }
0x33: {  	s21 =	sshrl.u32 s21, $0xA  }
0x34: {  	s23 =	sand.u32 $0x3F, s21  }
0x35: {  	s22 =	smul.u32 $0x1FFFCE, s23  }
0x36: {  	s21 =	sshllo.u32 s20, $0x1  }
0x37: {  	s22 =	sadd.s32 s21, s22  }
0x38: {  	s22 =	sshll.u32 s22, $0xB  }
0x39: {  	s24 =	sshll.u32 s23, $0x7;
	s22 =	sshra.s32 s22, $0x2  }
0x3a: {  	s22 =	sadd.s32 s24, s22  }
0x3b: {  	s22 =	sadd.s32 $0x6400, s22  }
0x3c: {  	[tilespmem:s12], [sflag:$0x2] =	stream.indirect.gather [hbm4b:s4+s9], $0x40, s22, s9, $0xb8;
	[tilespmem:$0x14C00] =	vst v63  }
0x3d: {  	_ =	swait.ge [sflag:s13], $0x2000  }
0x3e: {  	p0 =	seq.s32 s20, $0x0;
	v0 =	vmov s19;
	[sflag:s13] =	ssyncset.done $0x0  }
0x3f: {  	v0 =	vshrl.u32 v0, $0x3;
	s22 =	simm.s32 @!p0 $0x3;
	[sflag:s13] =	ssyncadd.s32 $0xFFFFE000  }
0x40: {  	v0 =	vshll.u32 v0, v2;
	_ =	swait.ge @!p0 [sflag:s22], $0x2000  }
0x41: {  	v0 =	vbroadcast v0, $0x0;
	[sflag:s22] =	ssyncset.done @!p0 $0x0  }
0x42: {  	[sflag:s22] =	ssyncadd.s32 @!p0 $0xFFFFE000;
	s22 =	simm.s32 $0xC900  }
0x43: {  	v3 =	vadd.s32 v5, v0;
	v1 =	vld [tilespmem:s22+$0xFFFFFF00]  }
0x44: {  	v4 =	vld [tilespmem:$0x1FEC0];
	_ =	sdelay $0x3  }
0x45: {  	[tilespmem:v3+s14+$0x0] =	vst.idx.msk $0xffff, v1  }
0x46: {  	v3 =	vadd.s32 v4, v0;
	v1 =	vld [tilespmem:s22+$0xFFFFFF10]  }
0x47: {  	v7 =	vmov v6;
	v6 =	vld [tilespmem:$0x1FED0];
	_ =	sdelay $0x3  }
0x48: {  	[tilespmem:v3+s14+$0x0] =	vst.idx.msk $0xffff, v1  }
0x49: {  	v3 =	vadd.s32 v6, v0;
	v1 =	vld [tilespmem:s22+$0xFFFFFF20];
	_ =	sdelay $0x4  }
0x4a: {  	[tilespmem:v3+s14+$0x0] =	vst.idx.msk $0xffff, v1  }
0x4b: {  	s31 =	simm.s32 $0x1;
	v0 =	vadd.s32 v7, v0;
	v1 =	vld [tilespmem:s22+$0xFFFFFF30]  }
0x4c: {  	v9 =	vmov v8;
	v8 =	vld [tilespmem:$0x1FEE0];
	v3 =	vmov s31  }
0x4d: {  	v3 =	vshrl.u32 v3, $0x3  }
0x4e: {  	v3 =	vshll.u32 v3, v2  }
0x4f: {  	v3 =	vbroadcast v3, $0x0  }
0x50: {  	[tilespmem:v0+s14+$0x0] =	vst.idx.msk $0xffff, v1  }
0x51: {  	v1 =	vadd.s32 v8, v3;
	v0 =	vld [tilespmem:s22+$0xFFFFFF40];
	_ =	sdelay $0x4  }
0x52: {  	[tilespmem:v1+s14+$0x0] =	vst.idx.msk $0xffff, v0  }
0x53: {  	v1 =	vadd.s32 v9, v3;
	v0 =	vld [tilespmem:s22+$0xFFFFFF50]  }
0x54: {  	v10 =	vld [tilespmem:$0x1FEF0];
	_ =	sdelay $0x3  }
0x55: {  	[tilespmem:v1+s14+$0x0] =	vst.idx.msk $0xffff, v0  }
0x56: {  	v1 =	vadd.s32 v10, v3;
	v0 =	vld [tilespmem:s22+$0xFFFFFF60];
	_ =	sdelay $0x4  }
0x57: {  	[tilespmem:v1+s14+$0x0] =	vst.idx.msk $0xffff, v0  }
0x58: {  	s25 =	simm.s32 $0x2;
	v1 =	vadd.s32 v11, v3;
	v0 =	vld [tilespmem:s22+$0xFFFFFF70]  }
0x59: {  	v12 =	vld [tilespmem:$0x1FF00];
	v3 =	vmov s25  }
0x5a: {  	v3 =	vshrl.u32 v3, $0x3  }
0x5b: {  	v3 =	vshll.u32 v3, v2  }
0x5c: {  	v3 =	vbroadcast v3, $0x0  }
0x5d: {  	[tilespmem:v1+s14+$0x0] =	vst.idx.msk $0xffff, v0  }
0x5e: {  	v1 =	vadd.s32 v12, v3;
	v0 =	vld [tilespmem:s22+$0xFFFFFF80];
	_ =	sdelay $0x4  }
0x5f: {  	[tilespmem:v1+s14+$0x0] =	vst.idx.msk $0xffff, v0  }
0x60: {  	v1 =	vadd.s32 v13, v3;
	v0 =	vld [tilespmem:s22+$0xFFFFFF90]  }
0x61: {  	v14 =	vld [tilespmem:$0x1FF10];
	_ =	sdelay $0x3  }
0x62: {  	[tilespmem:v1+s14+$0x0] =	vst.idx.msk $0xffff, v0  }
0x63: {  	v1 =	vadd.s32 v14, v3;
	v0 =	vld [tilespmem:s22+$0xFFFFFFA0];
	_ =	sdelay $0x4  }
0x64: {  	[tilespmem:v1+s14+$0x0] =	vst.idx.msk $0xffff, v0  }
0x65: {  	s26 =	simm.s32 $0x3;
	v1 =	vadd.s32 v15, v3;
	v0 =	vld [tilespmem:s22+$0xFFFFFFB0]  }
0x66: {  	v16 =	vld [tilespmem:$0x1FF20];
	v3 =	vmov s26  }
0x67: {  	v3 =	vshrl.u32 v3, $0x3  }
0x68: {  	v3 =	vshll.u32 v3, v2  }
0x69: {  	v3 =	vbroadcast v3, $0x0  }
0x6a: {  	[tilespmem:v1+s14+$0x0] =	vst.idx.msk $0xffff, v0  }
0x6b: {  	v1 =	vadd.s32 v16, v3;
	v0 =	vld [tilespmem:s22+$0xFFFFFFC0];
	_ =	sdelay $0x4  }
0x6c: {  	[tilespmem:v1+s14+$0x0] =	vst.idx.msk $0xffff, v0  }
0x6d: {  	v1 =	vadd.s32 v17, v3;
	v0 =	vld [tilespmem:s22+$0xFFFFFFD0]  }
0x6e: {  	v18 =	vld [tilespmem:$0x1FF30];
	_ =	sdelay $0x3  }
0x6f: {  	[tilespmem:v1+s14+$0x0] =	vst.idx.msk $0xffff, v0  }
0x70: {  	v1 =	vadd.s32 v18, v3;
	v0 =	vld [tilespmem:s22+$0xFFFFFFE0];
	_ =	sdelay $0x4  }
0x71: {  	[tilespmem:v1+s14+$0x0] =	vst.idx.msk $0xffff, v0  }
0x72: {  	s28 =	simm.s32 $0x4;
	v1 =	vadd.s32 v19, v3;
	v0 =	vld [tilespmem:s22+$0xFFFFFFF0]  }
0x73: {  	v20 =	vld [tilespmem:$0x1FF40];
	v3 =	vmov s28  }
0x74: {  	v3 =	vshrl.u32 v3, $0x3  }
0x75: {  	v3 =	vshll.u32 v3, v2  }
0x76: {  	v3 =	vbroadcast v3, $0x0  }
0x77: {  	[tilespmem:v1+s14+$0x0] =	vst.idx.msk $0xffff, v0  }
0x78: {  	v1 =	vadd.s32 v20, v3;
	v0 =	vld [tilespmem:s22+$0x0];
	_ =	sdelay $0x4  }
0x79: {  	[tilespmem:v1+s14+$0x0] =	vst.idx.msk $0xffff, v0  }
0x7a: {  	v1 =	vadd.s32 v21, v3;
	v0 =	vld [tilespmem:s22+$0x10]  }
0x7b: {  	v22 =	vld [tilespmem:$0x1FF50];
	_ =	sdelay $0x3  }
0x7c: {  	[tilespmem:v1+s14+$0x0] =	vst.idx.msk $0xffff, v0  }
0x7d: {  	v1 =	vadd.s32 v22, v3;
	v0 =	vld [tilespmem:s22+$0x20];
	_ =	sdelay $0x4  }
0x7e: {  	[tilespmem:v1+s14+$0x0] =	vst.idx.msk $0xffff, v0  }
0x7f: {  	s29 =	simm.s32 $0x5;
	v1 =	vadd.s32 v23, v3;
	v0 =	vld [tilespmem:s22+$0x30]  }
0x80: {  	v24 =	vld [tilespmem:$0x1FF60];
	v3 =	vmov s29  }
0x81: {  	v3 =	vshrl.u32 v3, $0x3  }
0x82: {  	v3 =	vshll.u32 v3, v2  }
0x83: {  	v3 =	vbroadcast v3, $0x0  }
0x84: {  	[tilespmem:v1+s14+$0x0] =	vst.idx.msk $0xffff, v0  }
0x85: {  	v1 =	vadd.s32 v24, v3;
	v0 =	vld [tilespmem:s22+$0x40];
	_ =	sdelay $0x4  }
0x86: {  	[tilespmem:v1+s14+$0x0] =	vst.idx.msk $0xffff, v0  }
0x87: {  	v1 =	vadd.s32 v25, v3;
	v0 =	vld [tilespmem:s22+$0x50]  }
0x88: {  	v26 =	vld [tilespmem:$0x1FF70];
	_ =	sdelay $0x3  }
0x89: {  	[tilespmem:v1+s14+$0x0] =	vst.idx.msk $0xffff, v0  }
0x8a: {  	v1 =	vadd.s32 v26, v3;
	v0 =	vld [tilespmem:s22+$0x60];
	_ =	sdelay $0x4  }
0x8b: {  	[tilespmem:v1+s14+$0x0] =	vst.idx.msk $0xffff, v0  }
0x8c: {  	s30 =	simm.s32 $0x6;
	v1 =	vadd.s32 v27, v3;
	v0 =	vld [tilespmem:s22+$0x70]  }
0x8d: {  	v28 =	vld [tilespmem:$0x1FF80];
	v3 =	vmov s30  }
0x8e: {  	v3 =	vshrl.u32 v3, $0x3  }
0x8f: {  	v3 =	vshll.u32 v3, v2  }
0x90: {  	v3 =	vbroadcast v3, $0x0  }
0x91: {  	[tilespmem:v1+s14+$0x0] =	vst.idx.msk $0xffff, v0  }
0x92: {  	v1 =	vadd.s32 v28, v3;
	v0 =	vld [tilespmem:s22+$0x80];
	_ =	sdelay $0x4  }
0x93: {  	[tilespmem:v1+s14+$0x0] =	vst.idx.msk $0xffff, v0  }
0x94: {  	v1 =	vadd.s32 v29, v3;
	v0 =	vld [tilespmem:s22+$0x90]  }
0x95: {  	v30 =	vld [tilespmem:$0x1FF90];
	_ =	sdelay $0x3  }
0x96: {  	[tilespmem:v1+s14+$0x0] =	vst.idx.msk $0xffff, v0  }
0x97: {  	v1 =	vadd.s32 v30, v3;
	v0 =	vld [tilespmem:s22+$0xA0];
	_ =	sdelay $0x4  }
0x98: {  	[tilespmem:v1+s14+$0x0] =	vst.idx.msk $0xffff, v0  }
0x99: {  	s31 =	simm.s32 $0x7;
	v1 =	vadd.s32 v31, v3;
	v0 =	vld [tilespmem:s22+$0xB0]  }
0x9a: {  	v32 =	vld [tilespmem:$0x1FFA0];
	v3 =	vmov s31  }
0x9b: {  	v3 =	vshrl.u32 v3, $0x3  }
0x9c: {  	v3 =	vshll.u32 v3, v2  }
0x9d: {  	v3 =	vbroadcast v3, $0x0  }
0x9e: {  	[tilespmem:v1+s14+$0x0] =	vst.idx.msk $0xffff, v0  }
0x9f: {  	v1 =	vadd.s32 v32, v3;
	v0 =	vld [tilespmem:s22+$0xC0];
	_ =	sdelay $0x4  }
0xa0: {  	[tilespmem:v1+s14+$0x0] =	vst.idx.msk $0xffff, v0  }
0xa1: {  	v1 =	vadd.s32 v33, v3;
	v0 =	vld [tilespmem:s22+$0xD0]  }
0xa2: {  	v34 =	vld [tilespmem:$0x1FFB0];
	_ =	sdelay $0x3  }
0xa3: {  	[tilespmem:v1+s14+$0x0] =	vst.idx.msk $0xffff, v0  }
0xa4: {  	v1 =	vadd.s32 v34, v3;
	v0 =	vld [tilespmem:s22+$0xE0];
	_ =	sdelay $0x4  }
0xa5: {  	[tilespmem:v1+s14+$0x0] =	vst.idx.msk $0xffff, v0  }
0xa6: {  	s25 =	simm.s32 $0x8;
	v1 =	vadd.s32 v35, v3;
	v0 =	vld [tilespmem:s22+$0xF0]  }
0xa7: {  	s24 =	sshll.u32 s20, $0x1;
	s26 =	simm.s32 $0x10;
	v3 =	vmov s25  }
.LBB2_7:
0xa8: {  	p1 =	slt.u32 s26, $0x78;
	v3 =	vshrl.u32 v3, $0x3  }
0xa9: {  	v3 =	vshll.u32 v3, v2  }
0xaa: {  	v3 =	vbroadcast v3, $0x0  }
0xab: {  	s22 =	sadd.s32 $0x200, s22;
	[tilespmem:v1+s14+$0x0] =	vst.idx.msk $0xffff, v0  }
0xac: {  	v0 =	vld [tilespmem:s22+$0xFFFFFF00];
	v1 =	vadd.s32 v5, v3;
	_ =	sdelay $0x4  }
0xad: {  	[tilespmem:v1+s14+$0x0] =	vst.idx.msk $0xffff, v0  }
0xae: {  	v1 =	vadd.s32 v4, v3;
	v0 =	vld [tilespmem:s22+$0xFFFFFF10];
	_ =	sdelay $0x4  }
0xaf: {  	[tilespmem:v1+s14+$0x0] =	vst.idx.msk $0xffff, v0  }
0xb0: {  	v1 =	vadd.s32 v6, v3;
	v0 =	vld [tilespmem:s22+$0xFFFFFF20];
	_ =	sdelay $0x4  }
0xb1: {  	[tilespmem:v1+s14+$0x0] =	vst.idx.msk $0xffff, v0  }
0xb2: {  	s28 =	sadd.s32 $0x1, s25;
	v1 =	vadd.s32 v7, v3;
	v0 =	vld [tilespmem:s22+$0xFFFFFF30]  }
0xb3: {  	v3 =	vmov s28  }
0xb4: {  	v3 =	vshrl.u32 v3, $0x3  }
0xb5: {  	v3 =	vshll.u32 v3, v2  }
0xb6: {  	v3 =	vbroadcast v3, $0x0  }
0xb7: {  	[tilespmem:v1+s14+$0x0] =	vst.idx.msk $0xffff, v0  }
0xb8: {  	v1 =	vadd.s32 v8, v3;
	v0 =	vld [tilespmem:s22+$0xFFFFFF40];
	_ =	sdelay $0x4  }
0xb9: {  	[tilespmem:v1+s14+$0x0] =	vst.idx.msk $0xffff, v0  }
0xba: {  	v1 =	vadd.s32 v9, v3;
	v0 =	vld [tilespmem:s22+$0xFFFFFF50];
	_ =	sdelay $0x4  }
0xbb: {  	[tilespmem:v1+s14+$0x0] =	vst.idx.msk $0xffff, v0  }
0xbc: {  	v1 =	vadd.s32 v10, v3;
	v0 =	vld [tilespmem:s22+$0xFFFFFF60];
	_ =	sdelay $0x4  }
0xbd: {  	[tilespmem:v1+s14+$0x0] =	vst.idx.msk $0xffff, v0  }
0xbe: {  	s28 =	sadd.s32 $0x2, s25;
	v1 =	vadd.s32 v11, v3;
	v0 =	vld [tilespmem:s22+$0xFFFFFF70]  }
0xbf: {  	v3 =	vmov s28  }
0xc0: {  	v3 =	vshrl.u32 v3, $0x3  }
0xc1: {  	v3 =	vshll.u32 v3, v2  }
0xc2: {  	v3 =	vbroadcast v3, $0x0  }
0xc3: {  	[tilespmem:v1+s14+$0x0] =	vst.idx.msk $0xffff, v0  }
0xc4: {  	v1 =	vadd.s32 v12, v3;
	v0 =	vld [tilespmem:s22+$0xFFFFFF80];
	_ =	sdelay $0x4  }
0xc5: {  	[tilespmem:v1+s14+$0x0] =	vst.idx.msk $0xffff, v0  }
0xc6: {  	v1 =	vadd.s32 v13, v3;
	v0 =	vld [tilespmem:s22+$0xFFFFFF90];
	_ =	sdelay $0x4  }
0xc7: {  	[tilespmem:v1+s14+$0x0] =	vst.idx.msk $0xffff, v0  }
0xc8: {  	v1 =	vadd.s32 v14, v3;
	v0 =	vld [tilespmem:s22+$0xFFFFFFA0];
	_ =	sdelay $0x4  }
0xc9: {  	[tilespmem:v1+s14+$0x0] =	vst.idx.msk $0xffff, v0  }
0xca: {  	s28 =	sadd.s32 $0x3, s25;
	v1 =	vadd.s32 v15, v3;
	v0 =	vld [tilespmem:s22+$0xFFFFFFB0]  }
0xcb: {  	v3 =	vmov s28  }
0xcc: {  	v3 =	vshrl.u32 v3, $0x3  }
0xcd: {  	v3 =	vshll.u32 v3, v2  }
0xce: {  	v3 =	vbroadcast v3, $0x0  }
0xcf: {  	[tilespmem:v1+s14+$0x0] =	vst.idx.msk $0xffff, v0  }
0xd0: {  	v1 =	vadd.s32 v16, v3;
	v0 =	vld [tilespmem:s22+$0xFFFFFFC0];
	_ =	sdelay $0x4  }
0xd1: {  	[tilespmem:v1+s14+$0x0] =	vst.idx.msk $0xffff, v0  }
0xd2: {  	v1 =	vadd.s32 v17, v3;
	v0 =	vld [tilespmem:s22+$0xFFFFFFD0];
	_ =	sdelay $0x4  }
0xd3: {  	[tilespmem:v1+s14+$0x0] =	vst.idx.msk $0xffff, v0  }
0xd4: {  	v1 =	vadd.s32 v18, v3;
	v0 =	vld [tilespmem:s22+$0xFFFFFFE0];
	_ =	sdelay $0x4  }
0xd5: {  	[tilespmem:v1+s14+$0x0] =	vst.idx.msk $0xffff, v0  }
0xd6: {  	s28 =	sadd.s32 $0x4, s25;
	v1 =	vadd.s32 v19, v3;
	v0 =	vld [tilespmem:s22+$0xFFFFFFF0]  }
0xd7: {  	v3 =	vmov s28  }
0xd8: {  	v3 =	vshrl.u32 v3, $0x3  }
0xd9: {  	v3 =	vshll.u32 v3, v2  }
0xda: {  	v3 =	vbroadcast v3, $0x0  }
0xdb: {  	[tilespmem:v1+s14+$0x0] =	vst.idx.msk $0xffff, v0  }
0xdc: {  	v1 =	vadd.s32 v20, v3;
	v0 =	vld [tilespmem:s22+$0x0];
	_ =	sdelay $0x4  }
0xdd: {  	[tilespmem:v1+s14+$0x0] =	vst.idx.msk $0xffff, v0  }
0xde: {  	v1 =	vadd.s32 v21, v3;
	v0 =	vld [tilespmem:s22+$0x10];
	_ =	sdelay $0x4  }
0xdf: {  	[tilespmem:v1+s14+$0x0] =	vst.idx.msk $0xffff, v0  }
0xe0: {  	v1 =	vadd.s32 v22, v3;
	v0 =	vld [tilespmem:s22+$0x20];
	_ =	sdelay $0x4  }
0xe1: {  	[tilespmem:v1+s14+$0x0] =	vst.idx.msk $0xffff, v0  }
0xe2: {  	s28 =	sadd.s32 $0x5, s25;
	v1 =	vadd.s32 v23, v3;
	v0 =	vld [tilespmem:s22+$0x30]  }
0xe3: {  	v3 =	vmov s28  }
0xe4: {  	v3 =	vshrl.u32 v3, $0x3  }
0xe5: {  	v3 =	vshll.u32 v3, v2  }
0xe6: {  	v3 =	vbroadcast v3, $0x0  }
0xe7: {  	[tilespmem:v1+s14+$0x0] =	vst.idx.msk $0xffff, v0  }
0xe8: {  	v1 =	vadd.s32 v24, v3;
	v0 =	vld [tilespmem:s22+$0x40];
	_ =	sdelay $0x4  }
0xe9: {  	[tilespmem:v1+s14+$0x0] =	vst.idx.msk $0xffff, v0  }
0xea: {  	v1 =	vadd.s32 v25, v3;
	v0 =	vld [tilespmem:s22+$0x50];
	_ =	sdelay $0x4  }
0xeb: {  	[tilespmem:v1+s14+$0x0] =	vst.idx.msk $0xffff, v0  }
0xec: {  	v1 =	vadd.s32 v26, v3;
	v0 =	vld [tilespmem:s22+$0x60];
	_ =	sdelay $0x4  }
0xed: {  	[tilespmem:v1+s14+$0x0] =	vst.idx.msk $0xffff, v0  }
0xee: {  	s28 =	sadd.s32 $0x6, s25;
	v1 =	vadd.s32 v27, v3;
	v0 =	vld [tilespmem:s22+$0x70]  }
0xef: {  	v3 =	vmov s28  }
0xf0: {  	v3 =	vshrl.u32 v3, $0x3  }
0xf1: {  	v3 =	vshll.u32 v3, v2  }
0xf2: {  	v3 =	vbroadcast v3, $0x0  }
0xf3: {  	[tilespmem:v1+s14+$0x0] =	vst.idx.msk $0xffff, v0  }
0xf4: {  	v1 =	vadd.s32 v28, v3;
	v0 =	vld [tilespmem:s22+$0x80];
	_ =	sdelay $0x4  }
0xf5: {  	[tilespmem:v1+s14+$0x0] =	vst.idx.msk $0xffff, v0  }
0xf6: {  	v1 =	vadd.s32 v29, v3;
	v0 =	vld [tilespmem:s22+$0x90];
	_ =	sdelay $0x4  }
0xf7: {  	[tilespmem:v1+s14+$0x0] =	vst.idx.msk $0xffff, v0  }
0xf8: {  	v1 =	vadd.s32 v30, v3;
	v0 =	vld [tilespmem:s22+$0xA0];
	_ =	sdelay $0x4  }
0xf9: {  	[tilespmem:v1+s14+$0x0] =	vst.idx.msk $0xffff, v0  }
0xfa: {  	s28 =	sadd.s32 $0x7, s25;
	s25 =	smov.u32 s26;
	v1 =	vadd.s32 v31, v3;
	v0 =	vld [tilespmem:s22+$0xB0]  }
0xfb: {  	v3 =	vmov s28  }
0xfc: {  	v3 =	vshrl.u32 v3, $0x3  }
0xfd: {  	v3 =	vshll.u32 v3, v2  }
0xfe: {  	v3 =	vbroadcast v3, $0x0  }
0xff: {  	[tilespmem:v1+s14+$0x0] =	vst.idx.msk $0xffff, v0  }
0x100: {  	v1 =	vadd.s32 v32, v3;
	v0 =	vld [tilespmem:s22+$0xC0];
	_ =	sdelay $0x4  }
0x101: {  	[tilespmem:v1+s14+$0x0] =	vst.idx.msk $0xffff, v0  }
0x102: {  	v1 =	vadd.s32 v33, v3;
	v0 =	vld [tilespmem:s22+$0xD0];
	_ =	sdelay $0x4  }
0x103: {  	[tilespmem:v1+s14+$0x0] =	vst.idx.msk $0xffff, v0  }
0x104: {  	v1 =	vadd.s32 v34, v3;
	v0 =	vld [tilespmem:s22+$0xE0];
	_ =	sdelay $0x2  }
.Ltmp2:
0x105: {  	(pc) =	sbr.rel @p1 .LBB2_7-.Ltmp2, $4  }
0x106: {  	_ = 	snop  }
0x107: {  	[tilespmem:v1+s14+$0x0] =	vst.idx.msk $0xffff, v0  }
0x108: {  	v1 =	vadd.s32 v35, v3;
	v0 =	vld [tilespmem:s22+$0xF0]  }
0x109: {  	s26 =	sadd.s32 $0x8, s26;
	v3 =	vmov s25  }
0x10a: {  	_ = 	snop  }
0x10b: {  	v3 =	vshrl.u32 v3, $0x3  }
0x10c: {  	v3 =	vshll.u32 v3, v2  }
0x10d: {  	v3 =	vbroadcast v3, $0x0  }
0x10e: {  	s26 =	sadd.s32 $0x200, s22;
	[tilespmem:v1+s14+$0x0] =	vst.idx.msk $0xffff, v0  }
0x10f: {  	v0 =	vld [tilespmem:s26+$0xFFFFFF00];
	v1 =	vadd.s32 v5, v3;
	_ =	sdelay $0x4  }
0x110: {  	[tilespmem:v1+s14+$0x0] =	vst.idx.msk $0xffff, v0  }
0x111: {  	v1 =	vadd.s32 v4, v3;
	v0 =	vld [tilespmem:s26+$0xFFFFFF10];
	_ =	sdelay $0x4  }
0x112: {  	[tilespmem:v1+s14+$0x0] =	vst.idx.msk $0xffff, v0  }
0x113: {  	v1 =	vadd.s32 v6, v3;
	v0 =	vld [tilespmem:s26+$0xFFFFFF20];
	_ =	sdelay $0x4  }
0x114: {  	[tilespmem:v1+s14+$0x0] =	vst.idx.msk $0xffff, v0  }
0x115: {  	s31 =	sadd.s32 $0x1, s25;
	v1 =	vadd.s32 v7, v3;
	v0 =	vld [tilespmem:s26+$0xFFFFFF30]  }
0x116: {  	v3 =	vmov s31  }
0x117: {  	v3 =	vshrl.u32 v3, $0x3  }
0x118: {  	v3 =	vshll.u32 v3, v2  }
0x119: {  	v3 =	vbroadcast v3, $0x0  }
0x11a: {  	[tilespmem:v1+s14+$0x0] =	vst.idx.msk $0xffff, v0  }
0x11b: {  	v1 =	vadd.s32 v8, v3;
	v0 =	vld [tilespmem:s26+$0xFFFFFF40];
	_ =	sdelay $0x4  }
0x11c: {  	[tilespmem:v1+s14+$0x0] =	vst.idx.msk $0xffff, v0  }
0x11d: {  	v1 =	vadd.s32 v9, v3;
	v0 =	vld [tilespmem:s26+$0xFFFFFF50];
	_ =	sdelay $0x4  }
0x11e: {  	[tilespmem:v1+s14+$0x0] =	vst.idx.msk $0xffff, v0  }
0x11f: {  	v1 =	vadd.s32 v10, v3;
	v0 =	vld [tilespmem:s26+$0xFFFFFF60];
	_ =	sdelay $0x4  }
0x120: {  	[tilespmem:v1+s14+$0x0] =	vst.idx.msk $0xffff, v0  }
0x121: {  	s31 =	sadd.s32 $0x2, s25;
	v1 =	vadd.s32 v11, v3;
	v0 =	vld [tilespmem:s26+$0xFFFFFF70]  }
0x122: {  	v3 =	vmov s31  }
0x123: {  	v3 =	vshrl.u32 v3, $0x3  }
0x124: {  	v3 =	vshll.u32 v3, v2  }
0x125: {  	v3 =	vbroadcast v3, $0x0  }
0x126: {  	[tilespmem:v1+s14+$0x0] =	vst.idx.msk $0xffff, v0  }
0x127: {  	v1 =	vadd.s32 v12, v3;
	v0 =	vld [tilespmem:s26+$0xFFFFFF80];
	_ =	sdelay $0x4  }
0x128: {  	[tilespmem:v1+s14+$0x0] =	vst.idx.msk $0xffff, v0  }
0x129: {  	v1 =	vadd.s32 v13, v3;
	v0 =	vld [tilespmem:s26+$0xFFFFFF90];
	_ =	sdelay $0x4  }
0x12a: {  	[tilespmem:v1+s14+$0x0] =	vst.idx.msk $0xffff, v0  }
0x12b: {  	v1 =	vadd.s32 v14, v3;
	v0 =	vld [tilespmem:s26+$0xFFFFFFA0];
	_ =	sdelay $0x4  }
0x12c: {  	[tilespmem:v1+s14+$0x0] =	vst.idx.msk $0xffff, v0  }
0x12d: {  	s31 =	sadd.s32 $0x3, s25;
	v1 =	vadd.s32 v15, v3;
	v0 =	vld [tilespmem:s26+$0xFFFFFFB0]  }
0x12e: {  	v3 =	vmov s31  }
0x12f: {  	v3 =	vshrl.u32 v3, $0x3  }
0x130: {  	v3 =	vshll.u32 v3, v2  }
0x131: {  	v3 =	vbroadcast v3, $0x0  }
0x132: {  	[tilespmem:v1+s14+$0x0] =	vst.idx.msk $0xffff, v0  }
0x133: {  	v1 =	vadd.s32 v16, v3;
	v0 =	vld [tilespmem:s26+$0xFFFFFFC0];
	_ =	sdelay $0x4  }
0x134: {  	[tilespmem:v1+s14+$0x0] =	vst.idx.msk $0xffff, v0  }
0x135: {  	v1 =	vadd.s32 v17, v3;
	v0 =	vld [tilespmem:s26+$0xFFFFFFD0];
	_ =	sdelay $0x4  }
0x136: {  	[tilespmem:v1+s14+$0x0] =	vst.idx.msk $0xffff, v0  }
0x137: {  	v1 =	vadd.s32 v18, v3;
	v0 =	vld [tilespmem:s26+$0xFFFFFFE0];
	_ =	sdelay $0x4  }
0x138: {  	[tilespmem:v1+s14+$0x0] =	vst.idx.msk $0xffff, v0  }
0x139: {  	s31 =	sadd.s32 $0x4, s25;
	v1 =	vadd.s32 v19, v3;
	v0 =	vld [tilespmem:s26+$0xFFFFFFF0]  }
0x13a: {  	v3 =	vmov s31  }
0x13b: {  	v3 =	vshrl.u32 v3, $0x3  }
0x13c: {  	v3 =	vshll.u32 v3, v2  }
0x13d: {  	v3 =	vbroadcast v3, $0x0  }
0x13e: {  	[tilespmem:v1+s14+$0x0] =	vst.idx.msk $0xffff, v0  }
0x13f: {  	v1 =	vadd.s32 v20, v3;
	v0 =	vld [tilespmem:s26+$0x0];
	_ =	sdelay $0x4  }
0x140: {  	[tilespmem:v1+s14+$0x0] =	vst.idx.msk $0xffff, v0  }
0x141: {  	v1 =	vadd.s32 v21, v3;
	v0 =	vld [tilespmem:s26+$0x10];
	_ =	sdelay $0x4  }
0x142: {  	[tilespmem:v1+s14+$0x0] =	vst.idx.msk $0xffff, v0  }
0x143: {  	v1 =	vadd.s32 v22, v3;
	v0 =	vld [tilespmem:s26+$0x20];
	_ =	sdelay $0x4  }
0x144: {  	[tilespmem:v1+s14+$0x0] =	vst.idx.msk $0xffff, v0  }
0x145: {  	s31 =	sadd.s32 $0x5, s25;
	v1 =	vadd.s32 v23, v3;
	v0 =	vld [tilespmem:s26+$0x30]  }
0x146: {  	v3 =	vmov s31  }
0x147: {  	v3 =	vshrl.u32 v3, $0x3  }
0x148: {  	v3 =	vshll.u32 v3, v2  }
0x149: {  	v3 =	vbroadcast v3, $0x0  }
0x14a: {  	[tilespmem:v1+s14+$0x0] =	vst.idx.msk $0xffff, v0  }
0x14b: {  	v1 =	vadd.s32 v24, v3;
	v0 =	vld [tilespmem:s26+$0x40];
	_ =	sdelay $0x4  }
0x14c: {  	[tilespmem:v1+s14+$0x0] =	vst.idx.msk $0xffff, v0  }
0x14d: {  	v1 =	vadd.s32 v25, v3;
	v0 =	vld [tilespmem:s26+$0x50];
	_ =	sdelay $0x4  }
0x14e: {  	[tilespmem:v1+s14+$0x0] =	vst.idx.msk $0xffff, v0  }
0x14f: {  	v1 =	vadd.s32 v26, v3;
	v0 =	vld [tilespmem:s26+$0x60];
	_ =	sdelay $0x4  }
0x150: {  	[tilespmem:v1+s14+$0x0] =	vst.idx.msk $0xffff, v0  }
0x151: {  	s31 =	sadd.s32 $0x6, s25;
	v1 =	vadd.s32 v27, v3;
	v0 =	vld [tilespmem:s26+$0x70]  }
0x152: {  	v3 =	vmov s31  }
0x153: {  	v3 =	vshrl.u32 v3, $0x3  }
0x154: {  	v3 =	vshll.u32 v3, v2  }
0x155: {  	v3 =	vbroadcast v3, $0x0  }
0x156: {  	[tilespmem:v1+s14+$0x0] =	vst.idx.msk $0xffff, v0  }
0x157: {  	v1 =	vadd.s32 v28, v3;
	v0 =	vld [tilespmem:s26+$0x80];
	_ =	sdelay $0x4  }
0x158: {  	[tilespmem:v1+s14+$0x0] =	vst.idx.msk $0xffff, v0  }
0x159: {  	v1 =	vadd.s32 v29, v3;
	v0 =	vld [tilespmem:s26+$0x90];
	_ =	sdelay $0x4  }
0x15a: {  	[tilespmem:v1+s14+$0x0] =	vst.idx.msk $0xffff, v0  }
0x15b: {  	v1 =	vadd.s32 v30, v3;
	v0 =	vld [tilespmem:s26+$0xA0];
	_ =	sdelay $0x4  }
0x15c: {  	[tilespmem:v1+s14+$0x0] =	vst.idx.msk $0xffff, v0  }
0x15d: {  	s25 =	sadd.s32 $0x7, s25;
	v1 =	vadd.s32 v31, v3;
	v0 =	vld [tilespmem:s26+$0xB0]  }
0x15e: {  	v3 =	vmov s25  }
0x15f: {  	v3 =	vshrl.u32 v3, $0x3  }
0x160: {  	v3 =	vshll.u32 v3, v2  }
0x161: {  	v3 =	vbroadcast v3, $0x0  }
0x162: {  	[tilespmem:v1+s14+$0x0] =	vst.idx.msk $0xffff, v0  }
0x163: {  	v1 =	vadd.s32 v32, v3;
	v0 =	vld [tilespmem:s26+$0xC0];
	_ =	sdelay $0x4  }
0x164: {  	[tilespmem:v1+s14+$0x0] =	vst.idx.msk $0xffff, v0  }
0x165: {  	v1 =	vadd.s32 v33, v3;
	v0 =	vld [tilespmem:s26+$0xD0];
	_ =	sdelay $0x4  }
0x166: {  	[tilespmem:v1+s14+$0x0] =	vst.idx.msk $0xffff, v0  }
0x167: {  	v1 =	vadd.s32 v34, v3;
	v0 =	vld [tilespmem:s26+$0xE0];
	_ =	sdelay $0x4  }
0x168: {  	s22 =	smul.u32 $0xFFFFFFCE, s23;
	[tilespmem:v1+s14+$0x0] =	vst.idx.msk $0xffff, v0  }
0x169: {  	v1 =	vadd.s32 v35, v3;
	v0 =	vld [tilespmem:s26+$0xF0]  }
0x16a: {  	s31 =	sadd.s32 s24, s22;
	s26 =	sshll.u32 s23, $0xA  }
0x16b: {  	s25 =	sshll.u32 s31, $0x14;
	s23 =	sadd.s32 s6, s26  }
0x16c: {  	s25 =	sor.u32 s23, s25  }
0x16d: {  	s25 =	sshrl.u32 s25, $0x3  }
0x16e: {  	s31 =	simm.s32 $0x10800;
	s26 =	sadd.s32 s2, s25;
	[tilespmem:v1+s14+$0x0] =	vst.idx.msk $0xffff, v0  }
0x16f: {  	[hbm4b:s26+s3] =	stream.linear.scatter [tilespmem:s31], [sflag:$0x3], $0x80, $0x38;
	[tilespmem:$0x14C00] =	vst v63  }
0x170: {  	s28 =	sadd.s32 $0x10, s26;
	s31 =	simm.s32 $0x10888  }
0x171: {  	[hbm4b:s28+s3] =	stream.linear.scatter [tilespmem:s31], [sflag:$0x3], $0x80, $0x38;
	[tilespmem:$0x14C00] =	vst v63  }
0x172: {  	s31 =	simm.s32 $0x10910;
	s28 =	sadd.s32 $0x20, s26  }
0x173: {  	[hbm4b:s28+s3] =	stream.linear.scatter [tilespmem:s31], [sflag:$0x3], $0x80, $0x38;
	[tilespmem:$0x14C00] =	vst v63  }
0x174: {  	s31 =	simm.s32 $0x10998;
	s28 =	sadd.s32 $0x30, s26  }
0x175: {  	[hbm4b:s28+s3] =	stream.linear.scatter [tilespmem:s31], [sflag:$0x3], $0x80, $0x38;
	[tilespmem:$0x14C00] =	vst v63  }
0x176: {  	s31 =	simm.s32 $0x10A20;
	s28 =	sadd.s32 $0x40, s26  }
0x177: {  	[hbm4b:s28+s3] =	stream.linear.scatter [tilespmem:s31], [sflag:$0x3], $0x80, $0x38;
	[tilespmem:$0x14C00] =	vst v63  }
0x178: {  	s29 =	simm.s32 $0x10BB8;
	s31 =	simm.s32 $0x10AA8;
	s28 =	sadd.s32 $0x50, s26  }
0x179: {  	[hbm4b:s28+s3] =	stream.linear.scatter [tilespmem:s31], [sflag:$0x3], $0x80, $0x38;
	[tilespmem:$0x14C00] =	vst v63  }
0x17a: {  	s25 =	simm.s32 $0x440;
	s31 =	simm.s32 $0x10B30;
	s28 =	sadd.s32 $0x60, s26  }
0x17b: {  	[hbm4b:s28+s3] =	stream.linear.scatter [tilespmem:s31], [sflag:$0x3], $0x80, $0x38;
	[tilespmem:$0x14C00] =	vst v63  }
0x17c: {  	v6 =	vmov v7;
	v8 =	vmov v9;
	s30 =	sadd.s32 $0x70, s26;
	s26 =	sadd.s32 $0x4000, s26;
	s28 =	simm.s32 $0x2200  }
.LBB2_9:
0x17d: {  	[hbm4b:s30+s3] =	stream.linear.scatter [tilespmem:s29], [sflag:$0x3], $0x80, $0x38;
	[tilespmem:$0x14C00] =	vst v63  }
0x17e: {  	s29 =	smov.u32 s25;
	s25 =	smov.u32 s28  }
0x17f: {  	s31 =	sadd.s32 $0x1100, s28;
	s25 =	sshra.s32 s25, $0x2;
	s30 =	sadd.s32 $0x10800, s29  }
0x180: {  	[hbm4b:s26+s3] =	stream.linear.scatter [tilespmem:s30], [sflag:$0x3], $0x80, $0x38;
	[tilespmem:$0x14C00] =	vst v63  }
0x181: {  	p1 =	sne.s32 s28, $0x7700;
	s28 =	sadd.s32 $0x10888, s29;
	s30 =	sadd.s32 $0x10, s26  }
0x182: {  	[hbm4b:s30+s3] =	stream.linear.scatter [tilespmem:s28], [sflag:$0x3], $0x80, $0x38;
	[tilespmem:$0x14C00] =	vst v63  }
0x183: {  	s28 =	sadd.s32 $0x10910, s29;
	s30 =	sadd.s32 $0x20, s26  }
0x184: {  	[hbm4b:s30+s3] =	stream.linear.scatter [tilespmem:s28], [sflag:$0x3], $0x80, $0x38;
	[tilespmem:$0x14C00] =	vst v63  }
0x185: {  	s28 =	sadd.s32 $0x10998, s29;
	s30 =	sadd.s32 $0x30, s26  }
0x186: {  	[hbm4b:s30+s3] =	stream.linear.scatter [tilespmem:s28], [sflag:$0x3], $0x80, $0x38;
	[tilespmem:$0x14C00] =	vst v63  }
0x187: {  	s28 =	sadd.s32 $0x10A20, s29;
	s30 =	sadd.s32 $0x40, s26  }
0x188: {  	[hbm4b:s30+s3] =	stream.linear.scatter [tilespmem:s28], [sflag:$0x3], $0x80, $0x38;
	[tilespmem:$0x14C00] =	vst v63  }
.Ltmp3:
0x189: {  	s28 =	sadd.s32 $0x10AA8, s29;
	s30 =	sadd.s32 $0x50, s26;
	(pc) =	sbr.rel @p1 .LBB2_9-.Ltmp3, $4  }
0x18a: {  	[hbm4b:s30+s3] =	stream.linear.scatter [tilespmem:s28], [sflag:$0x3], $0x80, $0x38;
	[tilespmem:$0x14C00] =	vst v63  }
0x18b: {  	s28 =	sadd.s32 $0x10B30, s29;
	s30 =	sadd.s32 $0x60, s26;
	s29 =	sadd.s32 $0x10BB8, s29  }
0x18c: {  	[hbm4b:s30+s3] =	stream.linear.scatter [tilespmem:s28], [sflag:$0x3], $0x80, $0x38;
	[tilespmem:$0x14C00] =	vst v63  }
0x18d: {  	s30 =	sadd.s32 $0x70, s26;
	s26 =	sadd.s32 $0x4000, s26;
	s28 =	smov.u32 s31  }
0x18e: {  	[hbm4b:s30+s3] =	stream.linear.scatter [tilespmem:s29], [sflag:$0x3], $0x80, $0x38;
	[tilespmem:$0x14C00] =	vst v63  }
0x18f: {  	s28 =	sadd.s32 $0x10800, s25  }
0x190: {  	[hbm4b:s26+s3] =	stream.linear.scatter [tilespmem:s28], [sflag:$0x3], $0x80, $0x38;
	[tilespmem:$0x14C00] =	vst v63  }
0x191: {  	s30 =	sadd.s32 $0x10888, s25;
	s31 =	sadd.s32 $0x10, s26  }
0x192: {  	[hbm4b:s31+s3] =	stream.linear.scatter [tilespmem:s30], [sflag:$0x3], $0x80, $0x38;
	[tilespmem:$0x14C00] =	vst v63  }
0x193: {  	s30 =	sadd.s32 $0x10910, s25;
	s31 =	sadd.s32 $0x20, s26  }
0x194: {  	[hbm4b:s31+s3] =	stream.linear.scatter [tilespmem:s30], [sflag:$0x3], $0x80, $0x38;
	[tilespmem:$0x14C00] =	vst v63  }
0x195: {  	s30 =	sadd.s32 $0x10998, s25;
	s31 =	sadd.s32 $0x30, s26  }
0x196: {  	[hbm4b:s31+s3] =	stream.linear.scatter [tilespmem:s30], [sflag:$0x3], $0x80, $0x38;
	[tilespmem:$0x14C00] =	vst v63  }
0x197: {  	s30 =	sadd.s32 $0x10A20, s25;
	s31 =	sadd.s32 $0x40, s26  }
0x198: {  	[hbm4b:s31+s3] =	stream.linear.scatter [tilespmem:s30], [sflag:$0x3], $0x80, $0x38;
	[tilespmem:$0x14C00] =	vst v63  }
0x199: {  	p1 =	sne.s32 s20, $0x63;
	s30 =	sadd.s32 $0x10AA8, s25;
	s31 =	sadd.s32 $0x50, s26  }
0x19a: {  	[hbm4b:s31+s3] =	stream.linear.scatter [tilespmem:s30], [sflag:$0x3], $0x80, $0x38;
	[tilespmem:$0x14C00] =	vst v63  }
.Ltmp4:
0x19b: {  	_ = 	snop;
	(pc) =	sbr.rel @p1 .LBB2_12-.Ltmp4, $4  }
0x19c: {  	s30 =	sadd.s32 $0x10B30, s25;
	s31 =	sadd.s32 $0x60, s26  }
0x19d: {  	[hbm4b:s31+s3] =	stream.linear.scatter [tilespmem:s30], [sflag:$0x3], $0x80, $0x38;
	[tilespmem:$0x14C00] =	vst v63  }
0x19e: {  	v7 =	vld [tilespmem:$0x1FFE0];
	s30 =	sadd.s32 $0x10BB8, s25;
	s31 =	sadd.s32 $0x70, s26  }
0x19f: {  	v9 =	vld [tilespmem:$0x1FFF0];
	[hbm4b:s31+s3] =	stream.linear.scatter [tilespmem:s30], [sflag:$0x3], $0x80, $0x38  }
.Ltmp5:
0x1a0: {  	(pc) =	sbr.rel .LBB2_13-.Ltmp5, $4  }
0x1a1: {  	_ = 	snop  }
0x1a2: {  	_ =	swait.ge [sflag:s15], $0x2000  }
0x1a3: {  	[sflag:s15] =	ssyncset.done $0x0  }
0x1a4: {  	[sflag:s15] =	ssyncadd.s32 $0xFFFFE000  }
.LBB2_12:
0x1a5: {  	s24 =	sadd.s32 $0x2, s24  }
0x1a6: {  	s25 =	smulhi.u32 $0x51EB851F, s24;
	_ =	sdelay $0x1  }
0x1a7: {  	s26 =	sshrl.u32 s25, $0x4  }
0x1a8: {  	s26 =	smul.u32 $0x1FFFCE, s26;
	_ =	sdelay $0x1  }
0x1a9: {  	s24 =	sadd.s32 s24, s26  }
0x1aa: {  	s25 =	sshll.u32 s25, $0x3;
	s24 =	sshll.u32 s24, $0xB  }
0x1ab: {  	s25 =	sand.u32 $0x3FFFFF80, s25;
	s24 =	sshra.s32 s24, $0x2  }
0x1ac: {  	s24 =	sadd.s32 s25, s24  }
.Ltmp6:
0x1ad: {  	s24 =	sadd.s32 $0x6400, s24;
	(pc) =	sbr.rel @p0 .LBB2_14-.Ltmp6, $4  }
0x1ae: {  	[tilespmem:s11], [sflag:$0x1] =	stream.indirect.gather [hbm4b:s4+s9], $0x40, s24, s9, $0xb8;
	[tilespmem:$0x14C00] =	vst v63  }
0x1af: {  	_ =	swait.ge [sflag:s15], $0x2000  }
0x1b0: {  	[sflag:s15] =	ssyncset.done $0x0  }
0x1b1: {  	[sflag:s15] =	ssyncadd.s32 $0xFFFFE000  }
.LBB2_13:
0x1b2: {  	_ =	swait.ge [sflag:s16], $0x2000  }
0x1b3: {  	[sflag:s16] =	ssyncset.done $0x0  }
0x1b4: {  	[sflag:s16] =	ssyncadd.s32 $0xFFFFE000  }
.LBB2_14:
0x1b5: {  	s24 =	simm.s32 $0x0  }
0x1b6: {  	v0 =	vmov s24  }
0x1b7: {  	v0 =	vshrl.u32 v0, $0x3  }
0x1b8: {  	v0 =	vshll.u32 v0, v2  }
0x1b9: {  	v0 =	vbroadcast v0, $0x0  }
0x1ba: {  	s24 =	simm.s32 $0xE9F0  }
0x1bb: {  	v1 =	vld [tilespmem:s24+$0xFFFFFE10];
	v3 =	vadd.s32 v7, v0;
	_ =	sdelay $0x4  }
0x1bc: {  	[tilespmem:v3+s14+$0x0] =	vst.idx.msk $0xffff, v1  }
0x1bd: {  	v3 =	vadd.s32 v9, v0;
	v1 =	vld [tilespmem:s24+$0xFFFFFE20];
	_ =	sdelay $0x4  }
0x1be: {  	[tilespmem:v3+s14+$0x0] =	vst.idx.msk $0xffff, v1  }
0x1bf: {  	v3 =	vadd.s32 v36, v0;
	v1 =	vld [tilespmem:s24+$0xFFFFFE30];
	_ =	sdelay $0x4  }
0x1c0: {  	[tilespmem:v3+s14+$0x0] =	vst.idx.msk $0xffff, v1  }
0x1c1: {  	s25 =	simm.s32 $0x1;
	v0 =	vadd.s32 v37, v0;
	v1 =	vld [tilespmem:s24+$0xFFFFFE40]  }
0x1c2: {  	v3 =	vmov s25  }
0x1c3: {  	v3 =	vshrl.u32 v3, $0x3  }
0x1c4: {  	v3 =	vshll.u32 v3, v2  }
0x1c5: {  	v3 =	vbroadcast v3, $0x0  }
0x1c6: {  	[tilespmem:v0+s14+$0x0] =	vst.idx.msk $0xffff, v1  }
0x1c7: {  	v1 =	vadd.s32 v38, v3;
	v0 =	vld [tilespmem:s24+$0xFFFFFE50];
	_ =	sdelay $0x4  }
0x1c8: {  	[tilespmem:v1+s14+$0x0] =	vst.idx.msk $0xffff, v0  }
0x1c9: {  	v1 =	vadd.s32 v39, v3;
	v0 =	vld [tilespmem:s24+$0xFFFFFE60];
	_ =	sdelay $0x4  }
0x1ca: {  	[tilespmem:v1+s14+$0x0] =	vst.idx.msk $0xffff, v0  }
0x1cb: {  	v1 =	vadd.s32 v40, v3;
	v0 =	vld [tilespmem:s24+$0xFFFFFE70];
	_ =	sdelay $0x4  }
0x1cc: {  	[tilespmem:v1+s14+$0x0] =	vst.idx.msk $0xffff, v0  }
0x1cd: {  	s31 =	simm.s32 $0x2;
	v1 =	vadd.s32 v41, v3;
	v0 =	vld [tilespmem:s24+$0xFFFFFE80]  }
0x1ce: {  	v3 =	vmov s31  }
0x1cf: {  	v3 =	vshrl.u32 v3, $0x3  }
0x1d0: {  	v3 =	vshll.u32 v3, v2  }
0x1d1: {  	v3 =	vbroadcast v3, $0x0  }
0x1d2: {  	[tilespmem:v1+s14+$0x0] =	vst.idx.msk $0xffff, v0  }
0x1d3: {  	v1 =	vadd.s32 v42, v3;
	v0 =	vld [tilespmem:s24+$0xFFFFFE90];
	_ =	sdelay $0x4  }
0x1d4: {  	[tilespmem:v1+s14+$0x0] =	vst.idx.msk $0xffff, v0  }
0x1d5: {  	v1 =	vadd.s32 v43, v3;
	v0 =	vld [tilespmem:s24+$0xFFFFFEA0];
	_ =	sdelay $0x4  }
0x1d6: {  	[tilespmem:v1+s14+$0x0] =	vst.idx.msk $0xffff, v0  }
0x1d7: {  	v1 =	vadd.s32 v44, v3;
	v0 =	vld [tilespmem:s24+$0xFFFFFEB0];
	_ =	sdelay $0x4  }
0x1d8: {  	[tilespmem:v1+s14+$0x0] =	vst.idx.msk $0xffff, v0  }
0x1d9: {  	s26 =	simm.s32 $0x3;
	v1 =	vadd.s32 v45, v3;
	v0 =	vld [tilespmem:s24+$0xFFFFFEC0]  }
0x1da: {  	v3 =	vmov s26  }
0x1db: {  	v3 =	vshrl.u32 v3, $0x3  }
0x1dc: {  	v3 =	vshll.u32 v3, v2  }
0x1dd: {  	v3 =	vbroadcast v3, $0x0  }
0x1de: {  	[tilespmem:v1+s14+$0x0] =	vst.idx.msk $0xffff, v0  }
0x1df: {  	v1 =	vadd.s32 v46, v3;
	v0 =	vld [tilespmem:s24+$0xFFFFFED0];
	_ =	sdelay $0x4  }
0x1e0: {  	[tilespmem:v1+s14+$0x0] =	vst.idx.msk $0xffff, v0  }
0x1e1: {  	v1 =	vadd.s32 v47, v3;
	v0 =	vld [tilespmem:s24+$0xFFFFFEE0];
	_ =	sdelay $0x4  }
0x1e2: {  	[tilespmem:v1+s14+$0x0] =	vst.idx.msk $0xffff, v0  }
0x1e3: {  	v1 =	vadd.s32 v48, v3;
	v0 =	vld [tilespmem:s24+$0xFFFFFEF0];
	_ =	sdelay $0x4  }
0x1e4: {  	[tilespmem:v1+s14+$0x0] =	vst.idx.msk $0xffff, v0  }
0x1e5: {  	s28 =	simm.s32 $0x4;
	v1 =	vadd.s32 v49, v3;
	v0 =	vld [tilespmem:s24+$0xFFFFFF00]  }
0x1e6: {  	v3 =	vmov s28  }
0x1e7: {  	v3 =	vshrl.u32 v3, $0x3  }
0x1e8: {  	v3 =	vshll.u32 v3, v2  }
0x1e9: {  	v3 =	vbroadcast v3, $0x0  }
0x1ea: {  	[tilespmem:v1+s14+$0x0] =	vst.idx.msk $0xffff, v0  }
0x1eb: {  	v1 =	vadd.s32 v50, v3;
	v0 =	vld [tilespmem:s24+$0xFFFFFF10];
	_ =	sdelay $0x4  }
0x1ec: {  	[tilespmem:v1+s14+$0x0] =	vst.idx.msk $0xffff, v0  }
0x1ed: {  	v1 =	vadd.s32 v51, v3;
	v0 =	vld [tilespmem:s24+$0xFFFFFF20];
	_ =	sdelay $0x4  }
0x1ee: {  	[tilespmem:v1+s14+$0x0] =	vst.idx.msk $0xffff, v0  }
0x1ef: {  	v1 =	vadd.s32 v52, v3;
	v0 =	vld [tilespmem:s24+$0xFFFFFF30];
	_ =	sdelay $0x4  }
0x1f0: {  	[tilespmem:v1+s14+$0x0] =	vst.idx.msk $0xffff, v0  }
0x1f1: {  	s29 =	simm.s32 $0x5;
	v1 =	vadd.s32 v53, v3;
	v0 =	vld [tilespmem:s24+$0xFFFFFF40]  }
0x1f2: {  	v3 =	vmov s29  }
0x1f3: {  	v3 =	vshrl.u32 v3, $0x3  }
0x1f4: {  	v3 =	vshll.u32 v3, v2  }
0x1f5: {  	v3 =	vbroadcast v3, $0x0  }
0x1f6: {  	[tilespmem:v1+s14+$0x0] =	vst.idx.msk $0xffff, v0  }
0x1f7: {  	v1 =	vadd.s32 v54, v3;
	v0 =	vld [tilespmem:s24+$0xFFFFFF50];
	_ =	sdelay $0x4  }
0x1f8: {  	[tilespmem:v1+s14+$0x0] =	vst.idx.msk $0xffff, v0  }
0x1f9: {  	v1 =	vadd.s32 v55, v3;
	v0 =	vld [tilespmem:s24+$0xFFFFFF60];
	_ =	sdelay $0x4  }
0x1fa: {  	[tilespmem:v1+s14+$0x0] =	vst.idx.msk $0xffff, v0  }
0x1fb: {  	v1 =	vadd.s32 v56, v3;
	v0 =	vld [tilespmem:s24+$0xFFFFFF70];
	_ =	sdelay $0x4  }
0x1fc: {  	[tilespmem:v1+s14+$0x0] =	vst.idx.msk $0xffff, v0  }
0x1fd: {  	s30 =	simm.s32 $0x6;
	v1 =	vadd.s32 v57, v3;
	v0 =	vld [tilespmem:s24+$0xFFFFFF80]  }
0x1fe: {  	v3 =	vmov s30  }
0x1ff: {  	v3 =	vshrl.u32 v3, $0x3  }
0x200: {  	v3 =	vshll.u32 v3, v2  }
0x201: {  	v3 =	vbroadcast v3, $0x0  }
0x202: {  	[tilespmem:v1+s14+$0x0] =	vst.idx.msk $0xffff, v0  }
0x203: {  	v1 =	vadd.s32 v58, v3;
	v0 =	vld [tilespmem:s24+$0xFFFFFF90];
	_ =	sdelay $0x4  }
0x204: {  	[tilespmem:v1+s14+$0x0] =	vst.idx.msk $0xffff, v0  }
0x205: {  	v1 =	vadd.s32 v59, v3;
	v0 =	vld [tilespmem:s24+$0xFFFFFFA0];
	_ =	sdelay $0x4  }
0x206: {  	[tilespmem:v1+s14+$0x0] =	vst.idx.msk $0xffff, v0  }
0x207: {  	v1 =	vadd.s32 v60, v3;
	v0 =	vld [tilespmem:s24+$0xFFFFFFB0];
	_ =	sdelay $0x4  }
0x208: {  	[tilespmem:v1+s14+$0x0] =	vst.idx.msk $0xffff, v0  }
0x209: {  	s31 =	simm.s32 $0x7;
	v1 =	vadd.s32 v61, v3;
	v0 =	vld [tilespmem:s24+$0xFFFFFFC0]  }
0x20a: {  	v3 =	vmov s31  }
0x20b: {  	v3 =	vshrl.u32 v3, $0x3  }
0x20c: {  	v3 =	vshll.u32 v3, v2  }
0x20d: {  	v4 =	vbroadcast v3, $0x0  }
0x20e: {  	[tilespmem:v1+s14+$0x0] =	vst.idx.msk $0xffff, v0  }
0x20f: {  	v1 =	vadd.s32 v62, v4;
	v0 =	vld [tilespmem:s24+$0xFFFFFFD0];
	_ =	sdelay $0x4  }
0x210: {  	[tilespmem:v1+s14+$0x0] =	vst.idx.msk $0xffff, v0  }
0x211: {  	v1 =	vadd.s32 v63, v4;
	v0 =	vld [tilespmem:s24+$0xFFFFFFE0];
	_ =	sdelay $0x4  }
0x212: {  	[tilespmem:v1+s14+$0x0] =	vst.idx.msk $0xffff, v0;
	v1 =	vadd.s32 $0x3307, v5  }
0x213: {  	v0 =	vld [tilespmem:s24+$0xFFFFFFF0];
	v3 =	vadd.s32 v1, v4;
	_ =	sdelay $0x4  }
0x214: {  	[tilespmem:v3+s14+$0x0] =	vst.idx.msk $0xffff, v0;
	v0 =	vadd.s32 $0x3B87, v5  }
0x215: {  	s25 =	simm.s32 $0x8;
	v3 =	vld [tilespmem:s24+$0x0];
	v4 =	vadd.s32 v0, v4  }
0x216: {  	s26 =	simm.s32 $0x10;
	v5 =	vmov s25  }
.LBB2_15:
0x217: {  	p0 =	slt.u32 s26, $0x78;
	v5 =	vshrl.u32 v5, $0x3  }
0x218: {  	v5 =	vshll.u32 v5, v2  }
0x219: {  	v5 =	vbroadcast v5, $0x0  }
0x21a: {  	s24 =	sadd.s32 $0x200, s24;
	[tilespmem:v4+s14+$0x0] =	vst.idx.msk $0xffff, v3  }
0x21b: {  	v3 =	vld [tilespmem:s24+$0xFFFFFE10];
	v4 =	vadd.s32 v7, v5;
	_ =	sdelay $0x4  }
0x21c: {  	[tilespmem:v4+s14+$0x0] =	vst.idx.msk $0xffff, v3  }
0x21d: {  	v4 =	vadd.s32 v9, v5;
	v3 =	vld [tilespmem:s24+$0xFFFFFE20];
	_ =	sdelay $0x4  }
0x21e: {  	[tilespmem:v4+s14+$0x0] =	vst.idx.msk $0xffff, v3  }
0x21f: {  	v4 =	vadd.s32 v36, v5;
	v3 =	vld [tilespmem:s24+$0xFFFFFE30];
	_ =	sdelay $0x4  }
0x220: {  	[tilespmem:v4+s14+$0x0] =	vst.idx.msk $0xffff, v3  }
0x221: {  	s28 =	sadd.s32 $0x1, s25;
	v4 =	vadd.s32 v37, v5;
	v3 =	vld [tilespmem:s24+$0xFFFFFE40]  }
0x222: {  	v5 =	vmov s28  }
0x223: {  	v5 =	vshrl.u32 v5, $0x3  }
0x224: {  	v5 =	vshll.u32 v5, v2  }
0x225: {  	v5 =	vbroadcast v5, $0x0  }
0x226: {  	[tilespmem:v4+s14+$0x0] =	vst.idx.msk $0xffff, v3  }
0x227: {  	v4 =	vadd.s32 v38, v5;
	v3 =	vld [tilespmem:s24+$0xFFFFFE50];
	_ =	sdelay $0x4  }
0x228: {  	[tilespmem:v4+s14+$0x0] =	vst.idx.msk $0xffff, v3  }
0x229: {  	v4 =	vadd.s32 v39, v5;
	v3 =	vld [tilespmem:s24+$0xFFFFFE60];
	_ =	sdelay $0x4  }
0x22a: {  	[tilespmem:v4+s14+$0x0] =	vst.idx.msk $0xffff, v3  }
0x22b: {  	v4 =	vadd.s32 v40, v5;
	v3 =	vld [tilespmem:s24+$0xFFFFFE70];
	_ =	sdelay $0x4  }
0x22c: {  	[tilespmem:v4+s14+$0x0] =	vst.idx.msk $0xffff, v3  }
0x22d: {  	s28 =	sadd.s32 $0x2, s25;
	v4 =	vadd.s32 v41, v5;
	v3 =	vld [tilespmem:s24+$0xFFFFFE80]  }
0x22e: {  	v5 =	vmov s28  }
0x22f: {  	v5 =	vshrl.u32 v5, $0x3  }
0x230: {  	v5 =	vshll.u32 v5, v2  }
0x231: {  	v5 =	vbroadcast v5, $0x0  }
0x232: {  	[tilespmem:v4+s14+$0x0] =	vst.idx.msk $0xffff, v3  }
0x233: {  	v4 =	vadd.s32 v42, v5;
	v3 =	vld [tilespmem:s24+$0xFFFFFE90];
	_ =	sdelay $0x4  }
0x234: {  	[tilespmem:v4+s14+$0x0] =	vst.idx.msk $0xffff, v3  }
0x235: {  	v4 =	vadd.s32 v43, v5;
	v3 =	vld [tilespmem:s24+$0xFFFFFEA0];
	_ =	sdelay $0x4  }
0x236: {  	[tilespmem:v4+s14+$0x0] =	vst.idx.msk $0xffff, v3  }
0x237: {  	v4 =	vadd.s32 v44, v5;
	v3 =	vld [tilespmem:s24+$0xFFFFFEB0];
	_ =	sdelay $0x4  }
0x238: {  	[tilespmem:v4+s14+$0x0] =	vst.idx.msk $0xffff, v3  }
0x239: {  	s28 =	sadd.s32 $0x3, s25;
	v4 =	vadd.s32 v45, v5;
	v3 =	vld [tilespmem:s24+$0xFFFFFEC0]  }
0x23a: {  	v5 =	vmov s28  }
0x23b: {  	v5 =	vshrl.u32 v5, $0x3  }
0x23c: {  	v5 =	vshll.u32 v5, v2  }
0x23d: {  	v5 =	vbroadcast v5, $0x0  }
0x23e: {  	[tilespmem:v4+s14+$0x0] =	vst.idx.msk $0xffff, v3  }
0x23f: {  	v4 =	vadd.s32 v46, v5;
	v3 =	vld [tilespmem:s24+$0xFFFFFED0];
	_ =	sdelay $0x4  }
0x240: {  	[tilespmem:v4+s14+$0x0] =	vst.idx.msk $0xffff, v3  }
0x241: {  	v4 =	vadd.s32 v47, v5;
	v3 =	vld [tilespmem:s24+$0xFFFFFEE0];
	_ =	sdelay $0x4  }
0x242: {  	[tilespmem:v4+s14+$0x0] =	vst.idx.msk $0xffff, v3  }
0x243: {  	v4 =	vadd.s32 v48, v5;
	v3 =	vld [tilespmem:s24+$0xFFFFFEF0];
	_ =	sdelay $0x4  }
0x244: {  	[tilespmem:v4+s14+$0x0] =	vst.idx.msk $0xffff, v3  }
0x245: {  	s28 =	sadd.s32 $0x4, s25;
	v4 =	vadd.s32 v49, v5;
	v3 =	vld [tilespmem:s24+$0xFFFFFF00]  }
0x246: {  	v5 =	vmov s28  }
0x247: {  	v5 =	vshrl.u32 v5, $0x3  }
0x248: {  	v5 =	vshll.u32 v5, v2  }
0x249: {  	v5 =	vbroadcast v5, $0x0  }
0x24a: {  	[tilespmem:v4+s14+$0x0] =	vst.idx.msk $0xffff, v3  }
0x24b: {  	v4 =	vadd.s32 v50, v5;
	v3 =	vld [tilespmem:s24+$0xFFFFFF10];
	_ =	sdelay $0x4  }
0x24c: {  	[tilespmem:v4+s14+$0x0] =	vst.idx.msk $0xffff, v3  }
0x24d: {  	v4 =	vadd.s32 v51, v5;
	v3 =	vld [tilespmem:s24+$0xFFFFFF20];
	_ =	sdelay $0x4  }
0x24e: {  	[tilespmem:v4+s14+$0x0] =	vst.idx.msk $0xffff, v3  }
0x24f: {  	v4 =	vadd.s32 v52, v5;
	v3 =	vld [tilespmem:s24+$0xFFFFFF30];
	_ =	sdelay $0x4  }
0x250: {  	[tilespmem:v4+s14+$0x0] =	vst.idx.msk $0xffff, v3  }
0x251: {  	s28 =	sadd.s32 $0x5, s25;
	v4 =	vadd.s32 v53, v5;
	v3 =	vld [tilespmem:s24+$0xFFFFFF40]  }
0x252: {  	v5 =	vmov s28  }
0x253: {  	v5 =	vshrl.u32 v5, $0x3  }
0x254: {  	v5 =	vshll.u32 v5, v2  }
0x255: {  	v5 =	vbroadcast v5, $0x0  }
0x256: {  	[tilespmem:v4+s14+$0x0] =	vst.idx.msk $0xffff, v3  }
0x257: {  	v4 =	vadd.s32 v54, v5;
	v3 =	vld [tilespmem:s24+$0xFFFFFF50];
	_ =	sdelay $0x4  }
0x258: {  	[tilespmem:v4+s14+$0x0] =	vst.idx.msk $0xffff, v3  }
0x259: {  	v4 =	vadd.s32 v55, v5;
	v3 =	vld [tilespmem:s24+$0xFFFFFF60];
	_ =	sdelay $0x4  }
0x25a: {  	[tilespmem:v4+s14+$0x0] =	vst.idx.msk $0xffff, v3  }
0x25b: {  	v4 =	vadd.s32 v56, v5;
	v3 =	vld [tilespmem:s24+$0xFFFFFF70];
	_ =	sdelay $0x4  }
0x25c: {  	[tilespmem:v4+s14+$0x0] =	vst.idx.msk $0xffff, v3  }
0x25d: {  	s28 =	sadd.s32 $0x6, s25;
	v4 =	vadd.s32 v57, v5;
	v3 =	vld [tilespmem:s24+$0xFFFFFF80]  }
0x25e: {  	v5 =	vmov s28  }
0x25f: {  	v5 =	vshrl.u32 v5, $0x3  }
0x260: {  	v5 =	vshll.u32 v5, v2  }
0x261: {  	v5 =	vbroadcast v5, $0x0  }
0x262: {  	[tilespmem:v4+s14+$0x0] =	vst.idx.msk $0xffff, v3  }
0x263: {  	v4 =	vadd.s32 v58, v5;
	v3 =	vld [tilespmem:s24+$0xFFFFFF90];
	_ =	sdelay $0x4  }
0x264: {  	[tilespmem:v4+s14+$0x0] =	vst.idx.msk $0xffff, v3  }
0x265: {  	v4 =	vadd.s32 v59, v5;
	v3 =	vld [tilespmem:s24+$0xFFFFFFA0];
	_ =	sdelay $0x4  }
0x266: {  	[tilespmem:v4+s14+$0x0] =	vst.idx.msk $0xffff, v3  }
0x267: {  	v4 =	vadd.s32 v60, v5;
	v3 =	vld [tilespmem:s24+$0xFFFFFFB0];
	_ =	sdelay $0x4  }
0x268: {  	[tilespmem:v4+s14+$0x0] =	vst.idx.msk $0xffff, v3  }
0x269: {  	s28 =	sadd.s32 $0x7, s25;
	s25 =	smov.u32 s26;
	v4 =	vadd.s32 v61, v5;
	v3 =	vld [tilespmem:s24+$0xFFFFFFC0]  }
0x26a: {  	v5 =	vmov s28  }
0x26b: {  	v5 =	vshrl.u32 v5, $0x3  }
0x26c: {  	v5 =	vshll.u32 v5, v2  }
0x26d: {  	v5 =	vbroadcast v5, $0x0  }
0x26e: {  	[tilespmem:v4+s14+$0x0] =	vst.idx.msk $0xffff, v3  }
0x26f: {  	v4 =	vadd.s32 v62, v5;
	v3 =	vld [tilespmem:s24+$0xFFFFFFD0];
	_ =	sdelay $0x4  }
0x270: {  	[tilespmem:v4+s14+$0x0] =	vst.idx.msk $0xffff, v3  }
0x271: {  	v4 =	vadd.s32 v63, v5;
	v3 =	vld [tilespmem:s24+$0xFFFFFFE0];
	_ =	sdelay $0x4  }
0x272: {  	[tilespmem:v4+s14+$0x0] =	vst.idx.msk $0xffff, v3  }
0x273: {  	v4 =	vadd.s32 v1, v5;
	v3 =	vld [tilespmem:s24+$0xFFFFFFF0];
	_ =	sdelay $0x2  }
.Ltmp7:
0x274: {  	(pc) =	sbr.rel @p0 .LBB2_15-.Ltmp7, $4  }
0x275: {  	_ = 	snop  }
0x276: {  	[tilespmem:v4+s14+$0x0] =	vst.idx.msk $0xffff, v3  }
0x277: {  	v4 =	vadd.s32 v0, v5;
	v3 =	vld [tilespmem:s24+$0x0]  }
0x278: {  	s26 =	sadd.s32 $0x8, s26;
	v5 =	vmov s25  }
0x279: {  	_ = 	snop  }
0x27a: {  	v5 =	vshrl.u32 v5, $0x3  }
0x27b: {  	v5 =	vshll.u32 v5, v2  }
0x27c: {  	v5 =	vbroadcast v5, $0x0  }
0x27d: {  	s24 =	sadd.s32 $0x200, s24;
	[tilespmem:v4+s14+$0x0] =	vst.idx.msk $0xffff, v3  }
0x27e: {  	v3 =	vld [tilespmem:s24+$0xFFFFFE10];
	v4 =	vadd.s32 v7, v5;
	_ =	sdelay $0x4  }
0x27f: {  	[tilespmem:v4+s14+$0x0] =	vst.idx.msk $0xffff, v3  }
0x280: {  	v4 =	vadd.s32 v9, v5;
	v3 =	vld [tilespmem:s24+$0xFFFFFE20];
	_ =	sdelay $0x4  }
0x281: {  	[tilespmem:v4+s14+$0x0] =	vst.idx.msk $0xffff, v3  }
0x282: {  	v4 =	vadd.s32 v36, v5;
	v3 =	vld [tilespmem:s24+$0xFFFFFE30];
	_ =	sdelay $0x4  }
0x283: {  	[tilespmem:v4+s14+$0x0] =	vst.idx.msk $0xffff, v3  }
0x284: {  	s26 =	sadd.s32 $0x1, s25;
	v4 =	vadd.s32 v37, v5;
	v3 =	vld [tilespmem:s24+$0xFFFFFE40]  }
0x285: {  	v5 =	vmov s26  }
0x286: {  	v5 =	vshrl.u32 v5, $0x3  }
0x287: {  	v5 =	vshll.u32 v5, v2  }
0x288: {  	v5 =	vbroadcast v5, $0x0  }
0x289: {  	[tilespmem:v4+s14+$0x0] =	vst.idx.msk $0xffff, v3  }
0x28a: {  	v4 =	vadd.s32 v38, v5;
	v3 =	vld [tilespmem:s24+$0xFFFFFE50];
	_ =	sdelay $0x4  }
0x28b: {  	[tilespmem:v4+s14+$0x0] =	vst.idx.msk $0xffff, v3  }
0x28c: {  	v4 =	vadd.s32 v39, v5;
	v3 =	vld [tilespmem:s24+$0xFFFFFE60];
	_ =	sdelay $0x4  }
0x28d: {  	[tilespmem:v4+s14+$0x0] =	vst.idx.msk $0xffff, v3  }
0x28e: {  	v4 =	vadd.s32 v40, v5;
	v3 =	vld [tilespmem:s24+$0xFFFFFE70];
	_ =	sdelay $0x4  }
0x28f: {  	[tilespmem:v4+s14+$0x0] =	vst.idx.msk $0xffff, v3  }
0x290: {  	s30 =	sadd.s32 $0x2, s25;
	v4 =	vadd.s32 v41, v5;
	v3 =	vld [tilespmem:s24+$0xFFFFFE80]  }
0x291: {  	v5 =	vmov s30  }
0x292: {  	v5 =	vshrl.u32 v5, $0x3  }
0x293: {  	v5 =	vshll.u32 v5, v2  }
0x294: {  	v5 =	vbroadcast v5, $0x0  }
0x295: {  	[tilespmem:v4+s14+$0x0] =	vst.idx.msk $0xffff, v3  }
0x296: {  	v4 =	vadd.s32 v42, v5;
	v3 =	vld [tilespmem:s24+$0xFFFFFE90];
	_ =	sdelay $0x4  }
0x297: {  	[tilespmem:v4+s14+$0x0] =	vst.idx.msk $0xffff, v3  }
0x298: {  	v4 =	vadd.s32 v43, v5;
	v3 =	vld [tilespmem:s24+$0xFFFFFEA0];
	_ =	sdelay $0x4  }
0x299: {  	[tilespmem:v4+s14+$0x0] =	vst.idx.msk $0xffff, v3  }
0x29a: {  	v4 =	vadd.s32 v44, v5;
	v3 =	vld [tilespmem:s24+$0xFFFFFEB0];
	_ =	sdelay $0x4  }
0x29b: {  	[tilespmem:v4+s14+$0x0] =	vst.idx.msk $0xffff, v3  }
0x29c: {  	s31 =	sadd.s32 $0x3, s25;
	v4 =	vadd.s32 v45, v5;
	v3 =	vld [tilespmem:s24+$0xFFFFFEC0]  }
0x29d: {  	v5 =	vmov s31  }
0x29e: {  	v5 =	vshrl.u32 v5, $0x3  }
0x29f: {  	v5 =	vshll.u32 v5, v2  }
0x2a0: {  	v5 =	vbroadcast v5, $0x0  }
0x2a1: {  	[tilespmem:v4+s14+$0x0] =	vst.idx.msk $0xffff, v3  }
0x2a2: {  	v4 =	vadd.s32 v46, v5;
	v3 =	vld [tilespmem:s24+$0xFFFFFED0];
	_ =	sdelay $0x4  }
0x2a3: {  	[tilespmem:v4+s14+$0x0] =	vst.idx.msk $0xffff, v3  }
0x2a4: {  	v4 =	vadd.s32 v47, v5;
	v3 =	vld [tilespmem:s24+$0xFFFFFEE0];
	_ =	sdelay $0x4  }
0x2a5: {  	[tilespmem:v4+s14+$0x0] =	vst.idx.msk $0xffff, v3  }
0x2a6: {  	v4 =	vadd.s32 v48, v5;
	v3 =	vld [tilespmem:s24+$0xFFFFFEF0];
	_ =	sdelay $0x4  }
0x2a7: {  	[tilespmem:v4+s14+$0x0] =	vst.idx.msk $0xffff, v3  }
0x2a8: {  	s28 =	sadd.s32 $0x4, s25;
	v4 =	vadd.s32 v49, v5;
	v3 =	vld [tilespmem:s24+$0xFFFFFF00]  }
0x2a9: {  	v5 =	vmov s28  }
0x2aa: {  	v5 =	vshrl.u32 v5, $0x3  }
0x2ab: {  	v5 =	vshll.u32 v5, v2  }
0x2ac: {  	v5 =	vbroadcast v5, $0x0  }
0x2ad: {  	[tilespmem:v4+s14+$0x0] =	vst.idx.msk $0xffff, v3  }
0x2ae: {  	v4 =	vadd.s32 v50, v5;
	v3 =	vld [tilespmem:s24+$0xFFFFFF10];
	_ =	sdelay $0x4  }
0x2af: {  	[tilespmem:v4+s14+$0x0] =	vst.idx.msk $0xffff, v3  }
0x2b0: {  	v4 =	vadd.s32 v51, v5;
	v3 =	vld [tilespmem:s24+$0xFFFFFF20];
	_ =	sdelay $0x4  }
0x2b1: {  	[tilespmem:v4+s14+$0x0] =	vst.idx.msk $0xffff, v3  }
0x2b2: {  	v4 =	vadd.s32 v52, v5;
	v3 =	vld [tilespmem:s24+$0xFFFFFF30];
	_ =	sdelay $0x4  }
0x2b3: {  	[tilespmem:v4+s14+$0x0] =	vst.idx.msk $0xffff, v3  }
0x2b4: {  	s29 =	sadd.s32 $0x5, s25;
	v4 =	vadd.s32 v53, v5;
	v3 =	vld [tilespmem:s24+$0xFFFFFF40]  }
0x2b5: {  	v5 =	vmov s29  }
0x2b6: {  	v5 =	vshrl.u32 v5, $0x3  }
0x2b7: {  	v5 =	vshll.u32 v5, v2  }
0x2b8: {  	v5 =	vbroadcast v5, $0x0  }
0x2b9: {  	[tilespmem:v4+s14+$0x0] =	vst.idx.msk $0xffff, v3  }
0x2ba: {  	v4 =	vadd.s32 v54, v5;
	v3 =	vld [tilespmem:s24+$0xFFFFFF50];
	_ =	sdelay $0x4  }
0x2bb: {  	[tilespmem:v4+s14+$0x0] =	vst.idx.msk $0xffff, v3  }
0x2bc: {  	v4 =	vadd.s32 v55, v5;
	v3 =	vld [tilespmem:s24+$0xFFFFFF60];
	_ =	sdelay $0x4  }
0x2bd: {  	[tilespmem:v4+s14+$0x0] =	vst.idx.msk $0xffff, v3  }
0x2be: {  	v4 =	vadd.s32 v56, v5;
	v3 =	vld [tilespmem:s24+$0xFFFFFF70];
	_ =	sdelay $0x4  }
0x2bf: {  	[tilespmem:v4+s14+$0x0] =	vst.idx.msk $0xffff, v3  }
0x2c0: {  	s30 =	sadd.s32 $0x6, s25;
	v4 =	vadd.s32 v57, v5;
	v3 =	vld [tilespmem:s24+$0xFFFFFF80]  }
0x2c1: {  	v5 =	vmov s30  }
0x2c2: {  	v5 =	vshrl.u32 v5, $0x3  }
0x2c3: {  	v5 =	vshll.u32 v5, v2  }
0x2c4: {  	v5 =	vbroadcast v5, $0x0  }
0x2c5: {  	[tilespmem:v4+s14+$0x0] =	vst.idx.msk $0xffff, v3  }
0x2c6: {  	v4 =	vadd.s32 v58, v5;
	v3 =	vld [tilespmem:s24+$0xFFFFFF90];
	_ =	sdelay $0x4  }
0x2c7: {  	[tilespmem:v4+s14+$0x0] =	vst.idx.msk $0xffff, v3  }
0x2c8: {  	v4 =	vadd.s32 v59, v5;
	v3 =	vld [tilespmem:s24+$0xFFFFFFA0];
	_ =	sdelay $0x4  }
0x2c9: {  	[tilespmem:v4+s14+$0x0] =	vst.idx.msk $0xffff, v3  }
0x2ca: {  	v4 =	vadd.s32 v60, v5;
	v3 =	vld [tilespmem:s24+$0xFFFFFFB0];
	_ =	sdelay $0x4  }
0x2cb: {  	[tilespmem:v4+s14+$0x0] =	vst.idx.msk $0xffff, v3  }
0x2cc: {  	s31 =	sadd.s32 $0x7, s25;
	v4 =	vadd.s32 v61, v5;
	v3 =	vld [tilespmem:s24+$0xFFFFFFC0]  }
0x2cd: {  	v5 =	vmov s31  }
0x2ce: {  	v5 =	vshrl.u32 v5, $0x3  }
0x2cf: {  	v5 =	vshll.u32 v5, v2  }
0x2d0: {  	v5 =	vbroadcast v5, $0x0  }
0x2d1: {  	[tilespmem:v4+s14+$0x0] =	vst.idx.msk $0xffff, v3  }
0x2d2: {  	v4 =	vadd.s32 v62, v5;
	v3 =	vld [tilespmem:s24+$0xFFFFFFD0];
	_ =	sdelay $0x4  }
0x2d3: {  	[tilespmem:v4+s14+$0x0] =	vst.idx.msk $0xffff, v3  }
0x2d4: {  	v4 =	vadd.s32 v63, v5;
	v3 =	vld [tilespmem:s24+$0xFFFFFFE0];
	_ =	sdelay $0x4  }
0x2d5: {  	[tilespmem:v4+s14+$0x0] =	vst.idx.msk $0xffff, v3  }
0x2d6: {  	v1 =	vadd.s32 v1, v5;
	v3 =	vld [tilespmem:s24+$0xFFFFFFF0];
	_ =	sdelay $0x4  }
0x2d7: {  	[tilespmem:v1+s14+$0x0] =	vst.idx.msk $0xffff, v3  }
0x2d8: {  	v0 =	vadd.s32 v0, v5;
	v1 =	vld [tilespmem:s24+$0x0]  }
0x2d9: {  	s21 =	sadd.s32 s21, s22  }
0x2da: {  	s21 =	sshll.u32 s21, $0x14  }
0x2db: {  	s21 =	sor.u32 s23, s21  }
0x2dc: {  	s21 =	sshrl.u32 s21, $0x3  }
0x2dd: {  	s22 =	sadd.s32 s2, s21;
	s26 =	simm.s32 $0x12A00;
	[tilespmem:v0+s14+$0x0] =	vst.idx.msk $0xffff, v1  }
0x2de: {  	[hbm4b:s22+s3] =	stream.linear.scatter [tilespmem:s26], [sflag:$0x4], $0x80, $0x38;
	[tilespmem:$0x14C00] =	vst v63  }
0x2df: {  	s28 =	simm.s32 $0x12A88;
	s29 =	sadd.s32 $0x10, s22  }
0x2e0: {  	[hbm4b:s29+s3] =	stream.linear.scatter [tilespmem:s28], [sflag:$0x4], $0x80, $0x38;
	[tilespmem:$0x14C00] =	vst v63  }
0x2e1: {  	s23 =	simm.s32 $0x12B98;
	s30 =	simm.s32 $0x12B10;
	s31 =	sadd.s32 $0x20, s22  }
0x2e2: {  	[hbm4b:s31+s3] =	stream.linear.scatter [tilespmem:s30], [sflag:$0x4], $0x80, $0x38;
	[tilespmem:$0x14C00] =	vst v63  }
0x2e3: {  	s21 =	simm.s32 $0x440;
	s25 =	simm.s32 $0x12C20;
	s24 =	sadd.s32 $0x30, s22  }
0x2e4: {  	[hbm4b:s24+s3] =	stream.linear.scatter [tilespmem:s23], [sflag:$0x4], $0x80, $0x38;
	[tilespmem:$0x14C00] =	vst v63  }
0x2e5: {  	s26 =	sadd.s32 $0x40, s22;
	s28 =	simm.s32 $0x12CA8;
	s29 =	sadd.s32 $0x50, s22  }
0x2e6: {  	[hbm4b:s26+s3] =	stream.linear.scatter [tilespmem:s25], [sflag:$0x4], $0x80, $0x38;
	[tilespmem:$0x14C00] =	vst v63  }
0x2e7: {  	s30 =	simm.s32 $0x12D30;
	s31 =	sadd.s32 $0x60, s22;
	s23 =	simm.s32 $0x2200  }
0x2e8: {  	[hbm4b:s29+s3] =	stream.linear.scatter [tilespmem:s28], [sflag:$0x4], $0x80, $0x38;
	[tilespmem:$0x14C00] =	vst v63  }
0x2e9: {  	s24 =	simm.s32 $0x12DB8;
	s25 =	sadd.s32 $0x70, s22;
	s22 =	sadd.s32 $0x4000, s22  }
0x2ea: {  	[hbm4b:s31+s3] =	stream.linear.scatter [tilespmem:s30], [sflag:$0x4], $0x80, $0x38;
	[tilespmem:$0x14C00] =	vst v63  }
.LBB2_17:
0x2eb: {  	[hbm4b:s25+s3] =	stream.linear.scatter [tilespmem:s24], [sflag:$0x4], $0x80, $0x38;
	[tilespmem:$0x14C00] =	vst v63  }
0x2ec: {  	s24 =	smov.u32 s21;
	s21 =	smov.u32 s23  }
0x2ed: {  	s26 =	sadd.s32 $0x1100, s23;
	s21 =	sshra.s32 s21, $0x2;
	s25 =	sadd.s32 $0x12A00, s24  }
0x2ee: {  	[hbm4b:s22+s3] =	stream.linear.scatter [tilespmem:s25], [sflag:$0x4], $0x80, $0x38;
	[tilespmem:$0x14C00] =	vst v63  }
0x2ef: {  	p0 =	sne.s32 s23, $0x7700;
	s23 =	sadd.s32 $0x12A88, s24;
	s25 =	sadd.s32 $0x10, s22  }
0x2f0: {  	[hbm4b:s25+s3] =	stream.linear.scatter [tilespmem:s23], [sflag:$0x4], $0x80, $0x38;
	[tilespmem:$0x14C00] =	vst v63  }
0x2f1: {  	s23 =	sadd.s32 $0x12B10, s24;
	s25 =	sadd.s32 $0x20, s22  }
0x2f2: {  	[hbm4b:s25+s3] =	stream.linear.scatter [tilespmem:s23], [sflag:$0x4], $0x80, $0x38;
	[tilespmem:$0x14C00] =	vst v63  }
0x2f3: {  	s23 =	sadd.s32 $0x12B98, s24;
	s25 =	sadd.s32 $0x30, s22  }
0x2f4: {  	[hbm4b:s25+s3] =	stream.linear.scatter [tilespmem:s23], [sflag:$0x4], $0x80, $0x38;
	[tilespmem:$0x14C00] =	vst v63  }
0x2f5: {  	s23 =	sadd.s32 $0x12C20, s24;
	s25 =	sadd.s32 $0x40, s22  }
0x2f6: {  	[hbm4b:s25+s3] =	stream.linear.scatter [tilespmem:s23], [sflag:$0x4], $0x80, $0x38;
	[tilespmem:$0x14C00] =	vst v63  }
.Ltmp8:
0x2f7: {  	s23 =	sadd.s32 $0x12CA8, s24;
	s25 =	sadd.s32 $0x50, s22;
	(pc) =	sbr.rel @p0 .LBB2_17-.Ltmp8, $4  }
0x2f8: {  	[hbm4b:s25+s3] =	stream.linear.scatter [tilespmem:s23], [sflag:$0x4], $0x80, $0x38;
	[tilespmem:$0x14C00] =	vst v63  }
0x2f9: {  	s23 =	sadd.s32 $0x12D30, s24;
	s25 =	sadd.s32 $0x60, s22;
	s24 =	sadd.s32 $0x12DB8, s24  }
0x2fa: {  	[hbm4b:s25+s3] =	stream.linear.scatter [tilespmem:s23], [sflag:$0x4], $0x80, $0x38;
	[tilespmem:$0x14C00] =	vst v63  }
0x2fb: {  	s25 =	sadd.s32 $0x70, s22;
	s22 =	sadd.s32 $0x4000, s22;
	s23 =	smov.u32 s26  }
0x2fc: {  	[hbm4b:s25+s3] =	stream.linear.scatter [tilespmem:s24], [sflag:$0x4], $0x80, $0x38;
	[tilespmem:$0x14C00] =	vst v63  }
0x2fd: {  	s23 =	sadd.s32 $0x12A00, s21  }
0x2fe: {  	[hbm4b:s22+s3] =	stream.linear.scatter [tilespmem:s23], [sflag:$0x4], $0x80, $0x38;
	[tilespmem:$0x14C00] =	vst v63  }
0x2ff: {  	s30 =	sadd.s32 $0x12A88, s21;
	s31 =	sadd.s32 $0x10, s22  }
0x300: {  	[hbm4b:s31+s3] =	stream.linear.scatter [tilespmem:s30], [sflag:$0x4], $0x80, $0x38;
	[tilespmem:$0x14C00] =	vst v63  }
0x301: {  	s25 =	sadd.s32 $0x12B10, s21;
	s26 =	sadd.s32 $0x20, s22  }
0x302: {  	[hbm4b:s26+s3] =	stream.linear.scatter [tilespmem:s25], [sflag:$0x4], $0x80, $0x38;
	[tilespmem:$0x14C00] =	vst v63  }
0x303: {  	s28 =	sadd.s32 $0x12B98, s21;
	s29 =	sadd.s32 $0x30, s22  }
0x304: {  	[hbm4b:s29+s3] =	stream.linear.scatter [tilespmem:s28], [sflag:$0x4], $0x80, $0x38;
	[tilespmem:$0x14C00] =	vst v63  }
0x305: {  	s20 =	sadd.s32 $0x1, s20;
	s30 =	sadd.s32 $0x12C20, s21;
	s31 =	sadd.s32 $0x40, s22  }
0x306: {  	[hbm4b:s31+s3] =	stream.linear.scatter [tilespmem:s30], [sflag:$0x4], $0x80, $0x38;
	[tilespmem:$0x14C00] =	vst v63  }
0x307: {  	p0 =	sne.s32 s20, $0x64;
	s25 =	sadd.s32 $0x12CA8, s21;
	s26 =	sadd.s32 $0x50, s22  }
0x308: {  	[hbm4b:s26+s3] =	stream.linear.scatter [tilespmem:s25], [sflag:$0x4], $0x80, $0x38;
	[tilespmem:$0x14C00] =	vst v63  }
.Ltmp9:
0x309: {  	_ = 	snop;
	(pc) =	sbr.rel @p0 .LBB2_6-.Ltmp9, $4  }
0x30a: {  	s28 =	sadd.s32 $0x12D30, s21;
	s29 =	sadd.s32 $0x60, s22  }
0x30b: {  	[hbm4b:s29+s3] =	stream.linear.scatter [tilespmem:s28], [sflag:$0x4], $0x80, $0x38;
	[tilespmem:$0x14C00] =	vst v63  }
0x30c: {  	v5 =	vld [tilespmem:$0x1FFD0];
	s30 =	sadd.s32 $0x12DB8, s21;
	s31 =	sadd.s32 $0x70, s22  }
0x30d: {  	v4 =	vld [tilespmem:$0x1FFC0];
	[hbm4b:s31+s3] =	stream.linear.scatter [tilespmem:s30], [sflag:$0x4], $0x80, $0x38  }
0x30e: {  	s18 =	sadd.s32 $0x1, s18  }
0x30f: {  	_ =	swait.ge [sflag:s17], $0x2000;
	p0 =	sne.s32 s18, s7  }
.Ltmp10:
0x310: {  	[sflag:s17] =	ssyncset.done $0x0;
	(pc) =	sbr.rel @p0 .LBB2_1-.Ltmp10, $4  }
0x311: {  	[sflag:s17] =	ssyncadd.s32 $0xFFFFE000  }
0x312: {  	_ =	swait.ge [sflag:s16], $0x2000  }
0x313: {  	[sflag:s16] =	ssyncset.done $0x0  }
0x314: {  	[sflag:s16] =	ssyncadd.s32 $0xFFFFE000  }
0x315: {  	_ =	sfence.sel $0x180000  }
0x316: {  	[bflag:$0x0] =	sbarrier.arrive $0xFFFF  }
0x317: {  	p0 =	sne.s32 s0, $0x0;
	_ =	strace $0x90000047  }
0x318: {  	s0 =	sadd.s32 @!p0 $0x100000, s1;
	[bflag:$0x2] =	sbarrier.arrive $0xFFFF  }
0x319: {  	[sflag:s0] =	ssyncadd.tile.s32 @!p0 $0x1;
	_ =	shalt  }
.Lfunc_end2:
_tile_overlayer_lowered:
.L_overlay_start_2:
0x31a: {  	(tag) =	ssettag $0x2  }
0x31b: {  	s0 =	rddreg [dreg:$0x0];
	s2 =	stileid.u32  }
0x31c: {  	s1 =	rddreg [dreg:$0x1];
	p0 =	sne.s32 s2, $0x0  }
0x31d: {  	s3 =	rddreg [dreg:$0x2];
	[bflag:$0x3] =	sbarrier.arrive $0xFFFF;
	s2 =	simm.s32 @!p0 $0x1C05  }
0x31e: {  	[timem:s3], [sflag:s2] =	dma.local @!p0 [hbm:s0], s1  }
0x31f: {  	s0 =	simm.s32 @!p0 $0x5  }
0x320: {  	_ =	swait.ge @!p0 [sflag:s0], s1  }
0x321: {  	s1 =	ssub.s32 @!p0 $0x0, s1;
	[sflag:s0] =	ssyncset.done @!p0 $0x0  }
0x322: {  	[sflag:s0] =	ssyncadd.s32 @!p0 s1  }
0x323: {  	[bflag:$0x3] =	sbarrier.arrive $0xFFFF  }
0x324: {  	_ =	shalt  }

</sc_bundles>
